<compile_context>
chip_gen: v7x
topology: tpu7x:2x2x1
jax: 0.10.2.dev20260603
libtpu: 0.0.44.dev20260713+nightly
codegen_flags: <defaults>
</compile_context>

<pallas_src>
import functools

import jax
import jax.numpy as jnp
from jax import lax
from jax.experimental import pallas as pl
from jax.experimental.pallas import tpu as pltpu
from jax.experimental.pallas import tpu_sc as plsc

NUM_EXPERTS = 32
TOP_K = 4
ROWS = 32768
LANES = 16
NUM_CORES = 2
NUM_SUBCORES = 16
NUM_WORKERS = NUM_CORES * NUM_SUBCORES
ROWS_PER_WORKER = ROWS // NUM_WORKERS
GROUPS = ROWS_PER_WORKER // LANES


CHUNKS = 4
CHUNK_ROWS = ROWS_PER_WORKER // CHUNKS


def _sc_body(x_hbm, out_hbm, xv, cnt_v, sem):
    wid = lax.axis_index("s") * NUM_CORES + lax.axis_index("c")
    base_row = wid * ROWS_PER_WORKER
    copies = [
        pltpu.async_copy(
            x_hbm.at[pl.ds(base_row + c * CHUNK_ROWS, CHUNK_ROWS)],
            xv.at[pl.ds(c * CHUNK_ROWS, CHUNK_ROWS)],
            sem,
        )
        for c in range(CHUNKS)
    ]

    lane = lax.broadcasted_iota(jnp.int32, (LANES,), 0)
    neg_inf = jnp.full((LANES,), -jnp.inf, jnp.float32)
    ones = jnp.full((LANES,), 1.0, jnp.float32)
    zeros = jnp.zeros((LANES,), jnp.float32)


    col_rot = [
        jnp.bitwise_and(lane + j, NUM_EXPERTS - 1) for j in range(NUM_EXPERTS)
    ]

    def group(g, cnt):
        row_idx = g * LANES + lane
        cols = [
            plsc.load_gather(xv, [row_idx, col_rot[j]])
            for j in range(NUM_EXPERTS)
        ]
        pairs = [
            plsc.pack(cols[2 * i], cols[2 * i + 1], format=plsc.PackFormat.INTERLEAVED)
            for i in range(NUM_EXPERTS // 2)
        ]
        sorted2 = [
            (jnp.maximum(pairs[2 * i], pairs[2 * i + 1]),
             jnp.minimum(pairs[2 * i], pairs[2 * i + 1]))
            for i in range(len(pairs) // 2)
        ]

        def merge22(a, b):
            hi = jnp.maximum(a[0], b[0])
            mid_a = jnp.minimum(a[0], b[0])
            mid_b = jnp.maximum(a[1], b[1])
            lo = jnp.minimum(a[1], b[1])
            return (hi, jnp.maximum(mid_a, mid_b), jnp.minimum(mid_a, mid_b), lo)

        def merge44(a, b, need_sorted=True):
            t1 = jnp.maximum(a[0], b[3])
            t2 = jnp.maximum(a[1], b[2])
            t3 = jnp.maximum(a[2], b[1])
            t4 = jnp.maximum(a[3], b[0])
            if not need_sorted:
                return (t1, t2, t3, t4)
            u1 = jnp.maximum(t1, t3)
            u3 = jnp.minimum(t1, t3)
            u2 = jnp.maximum(t2, t4)
            u4 = jnp.minimum(t2, t4)
            return (
                jnp.maximum(u1, u2),
                jnp.minimum(u1, u2),
                jnp.maximum(u3, u4),
                jnp.minimum(u3, u4),
            )

        sorted4 = [merge22(sorted2[2 * i], sorted2[2 * i + 1]) for i in range(4)]
        semi = [merge44(sorted4[0], sorted4[1]), merge44(sorted4[2], sorted4[3])]
        m1, m2, m3, m4 = merge44(semi[0], semi[1])
        a1, b1 = plsc.unpack(m1, format=plsc.PackFormat.INTERLEAVED)
        a2, b2 = plsc.unpack(m2, format=plsc.PackFormat.INTERLEAVED)
        a3, b3 = plsc.unpack(m3, format=plsc.PackFormat.INTERLEAVED)
        a4, b4 = plsc.unpack(m4, format=plsc.PackFormat.INTERLEAVED)
        tops = (
            jnp.maximum(a1, b4),
            jnp.maximum(a2, b3),
            jnp.maximum(a3, b2),
            jnp.maximum(a4, b1),
        )
        row_cnt = zeros
        for t in tops:
            row_cnt = row_cnt + jnp.where(t > neg_inf, ones, zeros)
        return cnt + row_cnt

    cnt = zeros
    groups_per_chunk = GROUPS // CHUNKS
    for c in range(CHUNKS):
        copies[c].wait()
        cnt = lax.fori_loop(
            c * groups_per_chunk, (c + 1) * groups_per_chunk, group, cnt
        )
    cnt_v[...] = cnt
    pltpu.sync_copy(cnt_v, out_hbm.at[pl.ds(wid * LANES, LANES)])


def kernel(x):
    mesh = plsc.VectorSubcoreMesh(core_axis_name="c", subcore_axis_name="s")
    f = pl.kernel(
        _sc_body,
        mesh=mesh,
        compiler_params=pltpu.CompilerParams(
            needs_layout_passes=False, use_tc_tiling_on_sc=False
        ),
        out_type=jax.ShapeDtypeStruct((NUM_WORKERS * LANES,), jnp.float32),
        scratch_types=[
            pltpu.VMEM((ROWS_PER_WORKER, NUM_EXPERTS), jnp.float32),
            pltpu.VMEM((LANES,), jnp.float32),
            pltpu.SemaphoreType.DMA,
        ],
    )
    partials = f(x)
    return jnp.sum(partials)

# --- scband reference (transcript-rebuilt; emitter-appended) ---
"""Pipeline reference for scband-my-model-61933428414140 (READ-ONLY COPY).

The authoritative reference and input builder live on the scoring server;
editing this copy changes nothing except your own understanding.
"""

import jax, jax.numpy as jnp
import numpy as np


def setup_inputs(seed: int = 0) -> dict:
    key = jax.random.key(seed)
    x = jax.random.normal(key, (32768, 32), dtype=jnp.float32)
    return {"x": x}


def reference(x):
    num_experts = 32
    top_k = 4
    routing_weights, selected_experts = jax.lax.top_k(x, top_k)
    one_hot_encoded = jax.nn.one_hot(selected_experts, num_experts, dtype=jnp.float32)
    return one_hot_encoded.sum()

if __name__ == "__main__":
    import jax
    _d = setup_inputs()
    print(jax.jit(kernel)(*tuple(_d.values())))

</pallas_src>

<mosaic_0001>
#map = affine_map<(d0, d1) -> (0, 0)>
#map1 = affine_map<(d0, d1) -> (0)>
module attributes {stable_mosaic.version = 14 : i64} {
  func.func @_sc_body(%arg0: i32, %arg1: i32, %arg2: memref<32768x32xf32, #tpu.memory_space<hbm>>, %arg3: memref<512xf32, #tpu.memory_space<hbm>>, %arg4: memref<1024x32xf32, #tpu.memory_space<vmem>>, %arg5: memref<16xf32, #tpu.memory_space<vmem>>, %arg6: memref<!tpu.dma_semaphore, #tpu.memory_space<semaphore_mem>>) attributes {dimension_semantics = [#tpu.dimension_semantics<core_parallel>, #tpu.dimension_semantics<subcore_parallel>], iteration_bounds = array<i64: 2, 16>, scalar_prefetch = 0 : i64, scratch_operands = 3 : i64, tpu.core_type = #tpu.core_type<sc_vector_subcore>, window_params = [{transform_indices = #map}, {transform_indices = #map1}]} {
    %mul3A = arith.constant 2 : i32
    %mul3A_0 = arith.muli %arg1, %mul3A : i32
    %add3A = arith.addi %mul3A_0, %arg0 : i32
    %mul3A_1 = arith.constant 1024 : i32
    %mul3A_2 = arith.muli %add3A, %mul3A_1 : i32
    %add3A_3 = arith.constant 0 : i32
    %add3A_4 = arith.addi %mul3A_2, %add3A_3 : i32
    %dma_start3A = arith.constant 0 : i32
    %dma_start3A_5 = arith.constant 0 : i32
    %dma_start3A_6 = tpu.memref_slice %arg4[%dma_start3A, %dma_start3A_5] : memref<1024x32xf32, #tpu.memory_space<vmem>> -> memref<256x32xf32, #tpu.memory_space<vmem>>
    %dma_start3A_7 = arith.constant 0 : i32
    %dma_start3A_8 = tpu.memref_slice %arg2[%add3A_4, %dma_start3A_7] : memref<32768x32xf32, #tpu.memory_space<hbm>> -> memref<256x32xf32, #tpu.memory_space<hbm>>
    %dma_start3A_9 = arith.constant 0 : i32
    %dma_start3A_10 = arith.constant 0 : i32
    %dma_start3A_11 = tpu.memref_slice %arg4[%dma_start3A_9, %dma_start3A_10] : memref<1024x32xf32, #tpu.memory_space<vmem>> -> memref<256x32xf32, #tpu.memory_space<vmem>>
    %dma_start3A_12 = arith.constant 0 : i32
    %dma_start3A_13 = tpu.memref_slice %arg2[%add3A_4, %dma_start3A_12] : memref<32768x32xf32, #tpu.memory_space<hbm>> -> memref<256x32xf32, #tpu.memory_space<hbm>>
    tpu.enqueue_dma source(%dma_start3A_13 : memref<256x32xf32, #tpu.memory_space<hbm>>) target(%dma_start3A_11 : memref<256x32xf32, #tpu.memory_space<vmem>>) target_semaphore(%arg6 : memref<!tpu.dma_semaphore, #tpu.memory_space<semaphore_mem>>)
    %add3A_14 = arith.constant 256 : i32
    %add3A_15 = arith.addi %mul3A_2, %add3A_14 : i32
    %dma_start3A_16 = arith.constant 256 : i32
    %dma_start3A_17 = arith.constant 0 : i32
    %dma_start3A_18 = tpu.memref_slice %arg4[%dma_start3A_16, %dma_start3A_17] : memref<1024x32xf32, #tpu.memory_space<vmem>> -> memref<256x32xf32, #tpu.memory_space<vmem>>
    %dma_start3A_19 = arith.constant 0 : i32
    %dma_start3A_20 = tpu.memref_slice %arg2[%add3A_15, %dma_start3A_19] : memref<32768x32xf32, #tpu.memory_space<hbm>> -> memref<256x32xf32, #tpu.memory_space<hbm>>
    %dma_start3A_21 = arith.constant 256 : i32
    %dma_start3A_22 = arith.constant 0 : i32
    %dma_start3A_23 = tpu.memref_slice %arg4[%dma_start3A_21, %dma_start3A_22] : memref<1024x32xf32, #tpu.memory_space<vmem>> -> memref<256x32xf32, #tpu.memory_space<vmem>>
    %dma_start3A_24 = arith.constant 0 : i32
    %dma_start3A_25 = tpu.memref_slice %arg2[%add3A_15, %dma_start3A_24] : memref<32768x32xf32, #tpu.memory_space<hbm>> -> memref<256x32xf32, #tpu.memory_space<hbm>>
    tpu.enqueue_dma source(%dma_start3A_25 : memref<256x32xf32, #tpu.memory_space<hbm>>) target(%dma_start3A_23 : memref<256x32xf32, #tpu.memory_space<vmem>>) target_semaphore(%arg6 : memref<!tpu.dma_semaphore, #tpu.memory_space<semaphore_mem>>)
    %add3A_26 = arith.constant 512 : i32
    %add3A_27 = arith.addi %mul3A_2, %add3A_26 : i32
    %dma_start3A_28 = arith.constant 512 : i32
    %dma_start3A_29 = arith.constant 0 : i32
    %dma_start3A_30 = tpu.memref_slice %arg4[%dma_start3A_28, %dma_start3A_29] : memref<1024x32xf32, #tpu.memory_space<vmem>> -> memref<256x32xf32, #tpu.memory_space<vmem>>
    %dma_start3A_31 = arith.constant 0 : i32
    %dma_start3A_32 = tpu.memref_slice %arg2[%add3A_27, %dma_start3A_31] : memref<32768x32xf32, #tpu.memory_space<hbm>> -> memref<256x32xf32, #tpu.memory_space<hbm>>
    %dma_start3A_33 = arith.constant 512 : i32
    %dma_start3A_34 = arith.constant 0 : i32
    %dma_start3A_35 = tpu.memref_slice %arg4[%dma_start3A_33, %dma_start3A_34] : memref<1024x32xf32, #tpu.memory_space<vmem>> -> memref<256x32xf32, #tpu.memory_space<vmem>>
    %dma_start3A_36 = arith.constant 0 : i32
    %dma_start3A_37 = tpu.memref_slice %arg2[%add3A_27, %dma_start3A_36] : memref<32768x32xf32, #tpu.memory_space<hbm>> -> memref<256x32xf32, #tpu.memory_space<hbm>>
    tpu.enqueue_dma source(%dma_start3A_37 : memref<256x32xf32, #tpu.memory_space<hbm>>) target(%dma_start3A_35 : memref<256x32xf32, #tpu.memory_space<vmem>>) target_semaphore(%arg6 : memref<!tpu.dma_semaphore, #tpu.memory_space<semaphore_mem>>)
    %add3A_38 = arith.constant 768 : i32
    %add3A_39 = arith.addi %mul3A_2, %add3A_38 : i32
    %dma_start3A_40 = arith.constant 768 : i32
    %dma_start3A_41 = arith.constant 0 : i32
    %dma_start3A_42 = tpu.memref_slice %arg4[%dma_start3A_40, %dma_start3A_41] : memref<1024x32xf32, #tpu.memory_space<vmem>> -> memref<256x32xf32, #tpu.memory_space<vmem>>
    %dma_start3A_43 = arith.constant 0 : i32
    %dma_start3A_44 = tpu.memref_slice %arg2[%add3A_39, %dma_start3A_43] : memref<32768x32xf32, #tpu.memory_space<hbm>> -> memref<256x32xf32, #tpu.memory_space<hbm>>
    %dma_start3A_45 = arith.constant 768 : i32
    %dma_start3A_46 = arith.constant 0 : i32
    %dma_start3A_47 = tpu.memref_slice %arg4[%dma_start3A_45, %dma_start3A_46] : memref<1024x32xf32, #tpu.memory_space<vmem>> -> memref<256x32xf32, #tpu.memory_space<vmem>>
    %dma_start3A_48 = arith.constant 0 : i32
    %dma_start3A_49 = tpu.memref_slice %arg2[%add3A_39, %dma_start3A_48] : memref<32768x32xf32, #tpu.memory_space<hbm>> -> memref<256x32xf32, #tpu.memory_space<hbm>>
    tpu.enqueue_dma source(%dma_start3A_49 : memref<256x32xf32, #tpu.memory_space<hbm>>) target(%dma_start3A_47 : memref<256x32xf32, #tpu.memory_space<vmem>>) target_semaphore(%arg6 : memref<!tpu.dma_semaphore, #tpu.memory_space<semaphore_mem>>)
    %iota3A = tpu.iota {dimensions = array<i32: 0>} : vector<16xi32>
    %broadcast_in_dim3A = arith.constant 0xFF800000 : f32
    %broadcast_in_dim3A_50 = vector.broadcast %broadcast_in_dim3A : f32 to vector<16xf32>
    %broadcast_in_dim3A_51 = arith.constant 1.000000e+00 : f32
    %broadcast_in_dim3A_52 = vector.broadcast %broadcast_in_dim3A_51 : f32 to vector<16xf32>
    %broadcast_in_dim3A_53 = arith.constant 0.000000e+00 : f32
    %broadcast_in_dim3A_54 = vector.broadcast %broadcast_in_dim3A_53 : f32 to vector<16xf32>
    %add3A_55 = arith.constant 0 : i32
    %add3A_56 = vector.broadcast %add3A_55 : i32 to vector<16xi32>
    %add3A_57 = arith.addi %iota3A, %add3A_56 : vector<16xi32>
    %and3A = arith.constant 31 : i32
    %and3A_58 = vector.broadcast %and3A : i32 to vector<16xi32>
    %and3A_59 = arith.andi %add3A_57, %and3A_58 : vector<16xi32>
    %add3A_60 = arith.constant 1 : i32
    %add3A_61 = vector.broadcast %add3A_60 : i32 to vector<16xi32>
    %add3A_62 = arith.addi %iota3A, %add3A_61 : vector<16xi32>
    %and3A_63 = arith.constant 31 : i32
    %and3A_64 = vector.broadcast %and3A_63 : i32 to vector<16xi32>
    %and3A_65 = arith.andi %add3A_62, %and3A_64 : vector<16xi32>
    %add3A_66 = arith.constant 2 : i32
    %add3A_67 = vector.broadcast %add3A_66 : i32 to vector<16xi32>
    %add3A_68 = arith.addi %iota3A, %add3A_67 : vector<16xi32>
    %and3A_69 = arith.constant 31 : i32
    %and3A_70 = vector.broadcast %and3A_69 : i32 to vector<16xi32>
    %and3A_71 = arith.andi %add3A_68, %and3A_70 : vector<16xi32>
    %add3A_72 = arith.constant 3 : i32
    %add3A_73 = vector.broadcast %add3A_72 : i32 to vector<16xi32>
    %add3A_74 = arith.addi %iota3A, %add3A_73 : vector<16xi32>
    %and3A_75 = arith.constant 31 : i32
    %and3A_76 = vector.broadcast %and3A_75 : i32 to vector<16xi32>
    %and3A_77 = arith.andi %add3A_74, %and3A_76 : vector<16xi32>
    %add3A_78 = arith.constant 4 : i32
    %add3A_79 = vector.broadcast %add3A_78 : i32 to vector<16xi32>
    %add3A_80 = arith.addi %iota3A, %add3A_79 : vector<16xi32>
    %and3A_81 = arith.constant 31 : i32
    %and3A_82 = vector.broadcast %and3A_81 : i32 to vector<16xi32>
    %and3A_83 = arith.andi %add3A_80, %and3A_82 : vector<16xi32>
    %add3A_84 = arith.constant 5 : i32
    %add3A_85 = vector.broadcast %add3A_84 : i32 to vector<16xi32>
    %add3A_86 = arith.addi %iota3A, %add3A_85 : vector<16xi32>
    %and3A_87 = arith.constant 31 : i32
    %and3A_88 = vector.broadcast %and3A_87 : i32 to vector<16xi32>
    %and3A_89 = arith.andi %add3A_86, %and3A_88 : vector<16xi32>
    %add3A_90 = arith.constant 6 : i32
    %add3A_91 = vector.broadcast %add3A_90 : i32 to vector<16xi32>
    %add3A_92 = arith.addi %iota3A, %add3A_91 : vector<16xi32>
    %and3A_93 = arith.constant 31 : i32
    %and3A_94 = vector.broadcast %and3A_93 : i32 to vector<16xi32>
    %and3A_95 = arith.andi %add3A_92, %and3A_94 : vector<16xi32>
    %add3A_96 = arith.constant 7 : i32
    %add3A_97 = vector.broadcast %add3A_96 : i32 to vector<16xi32>
    %add3A_98 = arith.addi %iota3A, %add3A_97 : vector<16xi32>
    %and3A_99 = arith.constant 31 : i32
    %and3A_100 = vector.broadcast %and3A_99 : i32 to vector<16xi32>
    %and3A_101 = arith.andi %add3A_98, %and3A_100 : vector<16xi32>
    %add3A_102 = arith.constant 8 : i32
    %add3A_103 = vector.broadcast %add3A_102 : i32 to vector<16xi32>
    %add3A_104 = arith.addi %iota3A, %add3A_103 : vector<16xi32>
    %and3A_105 = arith.constant 31 : i32
    %and3A_106 = vector.broadcast %and3A_105 : i32 to vector<16xi32>
    %and3A_107 = arith.andi %add3A_104, %and3A_106 : vector<16xi32>
    %add3A_108 = arith.constant 9 : i32
    %add3A_109 = vector.broadcast %add3A_108 : i32 to vector<16xi32>
    %add3A_110 = arith.addi %iota3A, %add3A_109 : vector<16xi32>
    %and3A_111 = arith.constant 31 : i32
    %and3A_112 = vector.broadcast %and3A_111 : i32 to vector<16xi32>
    %and3A_113 = arith.andi %add3A_110, %and3A_112 : vector<16xi32>
    %add3A_114 = arith.constant 10 : i32
    %add3A_115 = vector.broadcast %add3A_114 : i32 to vector<16xi32>
    %add3A_116 = arith.addi %iota3A, %add3A_115 : vector<16xi32>
    %and3A_117 = arith.constant 31 : i32
    %and3A_118 = vector.broadcast %and3A_117 : i32 to vector<16xi32>
    %and3A_119 = arith.andi %add3A_116, %and3A_118 : vector<16xi32>
    %add3A_120 = arith.constant 11 : i32
    %add3A_121 = vector.broadcast %add3A_120 : i32 to vector<16xi32>
    %add3A_122 = arith.addi %iota3A, %add3A_121 : vector<16xi32>
    %and3A_123 = arith.constant 31 : i32
    %and3A_124 = vector.broadcast %and3A_123 : i32 to vector<16xi32>
    %and3A_125 = arith.andi %add3A_122, %and3A_124 : vector<16xi32>
    %add3A_126 = arith.constant 12 : i32
    %add3A_127 = vector.broadcast %add3A_126 : i32 to vector<16xi32>
    %add3A_128 = arith.addi %iota3A, %add3A_127 : vector<16xi32>
    %and3A_129 = arith.constant 31 : i32
    %and3A_130 = vector.broadcast %and3A_129 : i32 to vector<16xi32>
    %and3A_131 = arith.andi %add3A_128, %and3A_130 : vector<16xi32>
    %add3A_132 = arith.constant 13 : i32
    %add3A_133 = vector.broadcast %add3A_132 : i32 to vector<16xi32>
    %add3A_134 = arith.addi %iota3A, %add3A_133 : vector<16xi32>
    %and3A_135 = arith.constant 31 : i32
    %and3A_136 = vector.broadcast %and3A_135 : i32 to vector<16xi32>
    %and3A_137 = arith.andi %add3A_134, %and3A_136 : vector<16xi32>
    %add3A_138 = arith.constant 14 : i32
    %add3A_139 = vector.broadcast %add3A_138 : i32 to vector<16xi32>
    %add3A_140 = arith.addi %iota3A, %add3A_139 : vector<16xi32>
    %and3A_141 = arith.constant 31 : i32
    %and3A_142 = vector.broadcast %and3A_141 : i32 to vector<16xi32>
    %and3A_143 = arith.andi %add3A_140, %and3A_142 : vector<16xi32>
    %add3A_144 = arith.constant 15 : i32
    %add3A_145 = vector.broadcast %add3A_144 : i32 to vector<16xi32>
    %add3A_146 = arith.addi %iota3A, %add3A_145 : vector<16xi32>
    %and3A_147 = arith.constant 31 : i32
    %and3A_148 = vector.broadcast %and3A_147 : i32 to vector<16xi32>
    %and3A_149 = arith.andi %add3A_146, %and3A_148 : vector<16xi32>
    %add3A_150 = arith.constant 16 : i32
    %add3A_151 = vector.broadcast %add3A_150 : i32 to vector<16xi32>
    %add3A_152 = arith.addi %iota3A, %add3A_151 : vector<16xi32>
    %and3A_153 = arith.constant 31 : i32
    %and3A_154 = vector.broadcast %and3A_153 : i32 to vector<16xi32>
    %and3A_155 = arith.andi %add3A_152, %and3A_154 : vector<16xi32>
    %add3A_156 = arith.constant 17 : i32
    %add3A_157 = vector.broadcast %add3A_156 : i32 to vector<16xi32>
    %add3A_158 = arith.addi %iota3A, %add3A_157 : vector<16xi32>
    %and3A_159 = arith.constant 31 : i32
    %and3A_160 = vector.broadcast %and3A_159 : i32 to vector<16xi32>
    %and3A_161 = arith.andi %add3A_158, %and3A_160 : vector<16xi32>
    %add3A_162 = arith.constant 18 : i32
    %add3A_163 = vector.broadcast %add3A_162 : i32 to vector<16xi32>
    %add3A_164 = arith.addi %iota3A, %add3A_163 : vector<16xi32>
    %and3A_165 = arith.constant 31 : i32
    %and3A_166 = vector.broadcast %and3A_165 : i32 to vector<16xi32>
    %and3A_167 = arith.andi %add3A_164, %and3A_166 : vector<16xi32>
    %add3A_168 = arith.constant 19 : i32
    %add3A_169 = vector.broadcast %add3A_168 : i32 to vector<16xi32>
    %add3A_170 = arith.addi %iota3A, %add3A_169 : vector<16xi32>
    %and3A_171 = arith.constant 31 : i32
    %and3A_172 = vector.broadcast %and3A_171 : i32 to vector<16xi32>
    %and3A_173 = arith.andi %add3A_170, %and3A_172 : vector<16xi32>
    %add3A_174 = arith.constant 20 : i32
    %add3A_175 = vector.broadcast %add3A_174 : i32 to vector<16xi32>
    %add3A_176 = arith.addi %iota3A, %add3A_175 : vector<16xi32>
    %and3A_177 = arith.constant 31 : i32
    %and3A_178 = vector.broadcast %and3A_177 : i32 to vector<16xi32>
    %and3A_179 = arith.andi %add3A_176, %and3A_178 : vector<16xi32>
    %add3A_180 = arith.constant 21 : i32
    %add3A_181 = vector.broadcast %add3A_180 : i32 to vector<16xi32>
    %add3A_182 = arith.addi %iota3A, %add3A_181 : vector<16xi32>
    %and3A_183 = arith.constant 31 : i32
    %and3A_184 = vector.broadcast %and3A_183 : i32 to vector<16xi32>
    %and3A_185 = arith.andi %add3A_182, %and3A_184 : vector<16xi32>
    %add3A_186 = arith.constant 22 : i32
    %add3A_187 = vector.broadcast %add3A_186 : i32 to vector<16xi32>
    %add3A_188 = arith.addi %iota3A, %add3A_187 : vector<16xi32>
    %and3A_189 = arith.constant 31 : i32
    %and3A_190 = vector.broadcast %and3A_189 : i32 to vector<16xi32>
    %and3A_191 = arith.andi %add3A_188, %and3A_190 : vector<16xi32>
    %add3A_192 = arith.constant 23 : i32
    %add3A_193 = vector.broadcast %add3A_192 : i32 to vector<16xi32>
    %add3A_194 = arith.addi %iota3A, %add3A_193 : vector<16xi32>
    %and3A_195 = arith.constant 31 : i32
    %and3A_196 = vector.broadcast %and3A_195 : i32 to vector<16xi32>
    %and3A_197 = arith.andi %add3A_194, %and3A_196 : vector<16xi32>
    %add3A_198 = arith.constant 24 : i32
    %add3A_199 = vector.broadcast %add3A_198 : i32 to vector<16xi32>
    %add3A_200 = arith.addi %iota3A, %add3A_199 : vector<16xi32>
    %and3A_201 = arith.constant 31 : i32
    %and3A_202 = vector.broadcast %and3A_201 : i32 to vector<16xi32>
    %and3A_203 = arith.andi %add3A_200, %and3A_202 : vector<16xi32>
    %add3A_204 = arith.constant 25 : i32
    %add3A_205 = vector.broadcast %add3A_204 : i32 to vector<16xi32>
    %add3A_206 = arith.addi %iota3A, %add3A_205 : vector<16xi32>
    %and3A_207 = arith.constant 31 : i32
    %and3A_208 = vector.broadcast %and3A_207 : i32 to vector<16xi32>
    %and3A_209 = arith.andi %add3A_206, %and3A_208 : vector<16xi32>
    %add3A_210 = arith.constant 26 : i32
    %add3A_211 = vector.broadcast %add3A_210 : i32 to vector<16xi32>
    %add3A_212 = arith.addi %iota3A, %add3A_211 : vector<16xi32>
    %and3A_213 = arith.constant 31 : i32
    %and3A_214 = vector.broadcast %and3A_213 : i32 to vector<16xi32>
    %and3A_215 = arith.andi %add3A_212, %and3A_214 : vector<16xi32>
    %add3A_216 = arith.constant 27 : i32
    %add3A_217 = vector.broadcast %add3A_216 : i32 to vector<16xi32>
    %add3A_218 = arith.addi %iota3A, %add3A_217 : vector<16xi32>
    %and3A_219 = arith.constant 31 : i32
    %and3A_220 = vector.broadcast %and3A_219 : i32 to vector<16xi32>
    %and3A_221 = arith.andi %add3A_218, %and3A_220 : vector<16xi32>
    %add3A_222 = arith.constant 28 : i32
    %add3A_223 = vector.broadcast %add3A_222 : i32 to vector<16xi32>
    %add3A_224 = arith.addi %iota3A, %add3A_223 : vector<16xi32>
    %and3A_225 = arith.constant 31 : i32
    %and3A_226 = vector.broadcast %and3A_225 : i32 to vector<16xi32>
    %and3A_227 = arith.andi %add3A_224, %and3A_226 : vector<16xi32>
    %add3A_228 = arith.constant 29 : i32
    %add3A_229 = vector.broadcast %add3A_228 : i32 to vector<16xi32>
    %add3A_230 = arith.addi %iota3A, %add3A_229 : vector<16xi32>
    %and3A_231 = arith.constant 31 : i32
    %and3A_232 = vector.broadcast %and3A_231 : i32 to vector<16xi32>
    %and3A_233 = arith.andi %add3A_230, %and3A_232 : vector<16xi32>
    %add3A_234 = arith.constant 30 : i32
    %add3A_235 = vector.broadcast %add3A_234 : i32 to vector<16xi32>
    %add3A_236 = arith.addi %iota3A, %add3A_235 : vector<16xi32>
    %and3A_237 = arith.constant 31 : i32
    %and3A_238 = vector.broadcast %and3A_237 : i32 to vector<16xi32>
    %and3A_239 = arith.andi %add3A_236, %and3A_238 : vector<16xi32>
    %add3A_240 = arith.constant 31 : i32
    %add3A_241 = vector.broadcast %add3A_240 : i32 to vector<16xi32>
    %add3A_242 = arith.addi %iota3A, %add3A_241 : vector<16xi32>
    %and3A_243 = arith.constant 31 : i32
    %and3A_244 = vector.broadcast %and3A_243 : i32 to vector<16xi32>
    %and3A_245 = arith.andi %add3A_242, %and3A_244 : vector<16xi32>
    %dma_wait3A = arith.constant 0 : i32
    %dma_wait3A_246 = arith.constant 0 : i32
    %dma_wait3A_247 = tpu.memref_slice %arg4[%dma_wait3A, %dma_wait3A_246] : memref<1024x32xf32, #tpu.memory_space<vmem>> -> memref<256x32xf32, #tpu.memory_space<vmem>>
    %dma_wait3A_248 = arith.constant 0 : i32
    %dma_wait3A_249 = tpu.memref_slice %arg2[%add3A_4, %dma_wait3A_248] : memref<32768x32xf32, #tpu.memory_space<hbm>> -> memref<256x32xf32, #tpu.memory_space<hbm>>
    %dma_wait3A_250 = arith.constant 0 : i32
    %dma_wait3A_251 = arith.constant 0 : i32
    %dma_wait3A_252 = tpu.memref_slice %arg4[%dma_wait3A_250, %dma_wait3A_251] : memref<1024x32xf32, #tpu.memory_space<vmem>> -> memref<256x32xf32, #tpu.memory_space<vmem>>
    %dma_wait3A_253 = arith.constant 0 : i32
    %dma_wait3A_254 = tpu.memref_slice %arg2[%add3A_4, %dma_wait3A_253] : memref<32768x32xf32, #tpu.memory_space<hbm>> -> memref<256x32xf32, #tpu.memory_space<hbm>>
    tpu.wait_dma2 semaphore(%arg6 : memref<!tpu.dma_semaphore, #tpu.memory_space<semaphore_mem>>) src(%dma_wait3A_254 : memref<256x32xf32, #tpu.memory_space<hbm>>) dst(%dma_wait3A_252 : memref<256x32xf32, #tpu.memory_space<vmem>>)
    %scan3A = arith.constant 0 : i32
    %scan3A_255 = arith.constant 16 : i32
    %scan3A_256 = arith.addi %scan3A, %scan3A_255 : i32
    %scan3A_257 = arith.constant 1 : i32
    %scan3A_258 = scf.for %scan3A_311 = %scan3A to %scan3A_256 step %scan3A_257 iter_args(%scan3A_312 = %broadcast_in_dim3A_54) -> (vector<16xf32>)  : i32 {
      %mul3A_313 = arith.constant 16 : i32
      %mul3A_314 = arith.muli %scan3A_311, %mul3A_313 : i32
      %add3A_315 = vector.broadcast %mul3A_314 : i32 to vector<16xi32>
      %add3A_316 = arith.addi %add3A_315, %iota3A : vector<16xi32>
      %gather3A = tpu.vector_load_idx %arg4[%add3A_316, %and3A_59] : memref<1024x32xf32, #tpu.memory_space<vmem>>[vector<16xi32>, vector<16xi32>], vector<16xf32>,
      %gather3A_317 = tpu.vector_load_idx %arg4[%add3A_316, %and3A_65] : memref<1024x32xf32, #tpu.memory_space<vmem>>[vector<16xi32>, vector<16xi32>], vector<16xf32>,
      %gather3A_318 = tpu.vector_load_idx %arg4[%add3A_316, %and3A_71] : memref<1024x32xf32, #tpu.memory_space<vmem>>[vector<16xi32>, vector<16xi32>], vector<16xf32>,
      %gather3A_319 = tpu.vector_load_idx %arg4[%add3A_316, %and3A_77] : memref<1024x32xf32, #tpu.memory_space<vmem>>[vector<16xi32>, vector<16xi32>], vector<16xf32>,
      %gather3A_320 = tpu.vector_load_idx %arg4[%add3A_316, %and3A_83] : memref<1024x32xf32, #tpu.memory_space<vmem>>[vector<16xi32>, vector<16xi32>], vector<16xf32>,
      %gather3A_321 = tpu.vector_load_idx %arg4[%add3A_316, %and3A_89] : memref<1024x32xf32, #tpu.memory_space<vmem>>[vector<16xi32>, vector<16xi32>], vector<16xf32>,
      %gather3A_322 = tpu.vector_load_idx %arg4[%add3A_316, %and3A_95] : memref<1024x32xf32, #tpu.memory_space<vmem>>[vector<16xi32>, vector<16xi32>], vector<16xf32>,
      %gather3A_323 = tpu.vector_load_idx %arg4[%add3A_316, %and3A_101] : memref<1024x32xf32, #tpu.memory_space<vmem>>[vector<16xi32>, vector<16xi32>], vector<16xf32>,
      %gather3A_324 = tpu.vector_load_idx %arg4[%add3A_316, %and3A_107] : memref<1024x32xf32, #tpu.memory_space<vmem>>[vector<16xi32>, vector<16xi32>], vector<16xf32>,
      %gather3A_325 = tpu.vector_load_idx %arg4[%add3A_316, %and3A_113] : memref<1024x32xf32, #tpu.memory_space<vmem>>[vector<16xi32>, vector<16xi32>], vector<16xf32>,
      %gather3A_326 = tpu.vector_load_idx %arg4[%add3A_316, %and3A_119] : memref<1024x32xf32, #tpu.memory_space<vmem>>[vector<16xi32>, vector<16xi32>], vector<16xf32>,
      %gather3A_327 = tpu.vector_load_idx %arg4[%add3A_316, %and3A_125] : memref<1024x32xf32, #tpu.memory_space<vmem>>[vector<16xi32>, vector<16xi32>], vector<16xf32>,
      %gather3A_328 = tpu.vector_load_idx %arg4[%add3A_316, %and3A_131] : memref<1024x32xf32, #tpu.memory_space<vmem>>[vector<16xi32>, vector<16xi32>], vector<16xf32>,
      %gather3A_329 = tpu.vector_load_idx %arg4[%add3A_316, %and3A_137] : memref<1024x32xf32, #tpu.memory_space<vmem>>[vector<16xi32>, vector<16xi32>], vector<16xf32>,
      %gather3A_330 = tpu.vector_load_idx %arg4[%add3A_316, %and3A_143] : memref<1024x32xf32, #tpu.memory_space<vmem>>[vector<16xi32>, vector<16xi32>], vector<16xf32>,
      %gather3A_331 = tpu.vector_load_idx %arg4[%add3A_316, %and3A_149] : memref<1024x32xf32, #tpu.memory_space<vmem>>[vector<16xi32>, vector<16xi32>], vector<16xf32>,
      %gather3A_332 = tpu.vector_load_idx %arg4[%add3A_316, %and3A_155] : memref<1024x32xf32, #tpu.memory_space<vmem>>[vector<16xi32>, vector<16xi32>], vector<16xf32>,
      %gather3A_333 = tpu.vector_load_idx %arg4[%add3A_316, %and3A_161] : memref<1024x32xf32, #tpu.memory_space<vmem>>[vector<16xi32>, vector<16xi32>], vector<16xf32>,
      %gather3A_334 = tpu.vector_load_idx %arg4[%add3A_316, %and3A_167] : memref<1024x32xf32, #tpu.memory_space<vmem>>[vector<16xi32>, vector<16xi32>], vector<16xf32>,
      %gather3A_335 = tpu.vector_load_idx %arg4[%add3A_316, %and3A_173] : memref<1024x32xf32, #tpu.memory_space<vmem>>[vector<16xi32>, vector<16xi32>], vector<16xf32>,
      %gather3A_336 = tpu.vector_load_idx %arg4[%add3A_316, %and3A_179] : memref<1024x32xf32, #tpu.memory_space<vmem>>[vector<16xi32>, vector<16xi32>], vector<16xf32>,
      %gather3A_337 = tpu.vector_load_idx %arg4[%add3A_316, %and3A_185] : memref<1024x32xf32, #tpu.memory_space<vmem>>[vector<16xi32>, vector<16xi32>], vector<16xf32>,
      %gather3A_338 = tpu.vector_load_idx %arg4[%add3A_316, %and3A_191] : memref<1024x32xf32, #tpu.memory_space<vmem>>[vector<16xi32>, vector<16xi32>], vector<16xf32>,
      %gather3A_339 = tpu.vector_load_idx %arg4[%add3A_316, %and3A_197] : memref<1024x32xf32, #tpu.memory_space<vmem>>[vector<16xi32>, vector<16xi32>], vector<16xf32>,
      %gather3A_340 = tpu.vector_load_idx %arg4[%add3A_316, %and3A_203] : memref<1024x32xf32, #tpu.memory_space<vmem>>[vector<16xi32>, vector<16xi32>], vector<16xf32>,
      %gather3A_341 = tpu.vector_load_idx %arg4[%add3A_316, %and3A_209] : memref<1024x32xf32, #tpu.memory_space<vmem>>[vector<16xi32>, vector<16xi32>], vector<16xf32>,
      %gather3A_342 = tpu.vector_load_idx %arg4[%add3A_316, %and3A_215] : memref<1024x32xf32, #tpu.memory_space<vmem>>[vector<16xi32>, vector<16xi32>], vector<16xf32>,
      %gather3A_343 = tpu.vector_load_idx %arg4[%add3A_316, %and3A_221] : memref<1024x32xf32, #tpu.memory_space<vmem>>[vector<16xi32>, vector<16xi32>], vector<16xf32>,
      %gather3A_344 = tpu.vector_load_idx %arg4[%add3A_316, %and3A_227] : memref<1024x32xf32, #tpu.memory_space<vmem>>[vector<16xi32>, vector<16xi32>], vector<16xf32>,
      %gather3A_345 = tpu.vector_load_idx %arg4[%add3A_316, %and3A_233] : memref<1024x32xf32, #tpu.memory_space<vmem>>[vector<16xi32>, vector<16xi32>], vector<16xf32>,
      %gather3A_346 = tpu.vector_load_idx %arg4[%add3A_316, %and3A_239] : memref<1024x32xf32, #tpu.memory_space<vmem>>[vector<16xi32>, vector<16xi32>], vector<16xf32>,
      %gather3A_347 = tpu.vector_load_idx %arg4[%add3A_316, %and3A_245] : memref<1024x32xf32, #tpu.memory_space<vmem>>[vector<16xi32>, vector<16xi32>], vector<16xf32>,
      %pack3A = tpu.pack_subelements %gather3A, %gather3A_317 {pack_format = #tpu.pack_format<interleaved>, positions = array<i32: 0, 1>} : vector<16xf32>, vector<16xf32> -> vector<32xbf16>
      %pack3A_348 = tpu.pack_subelements %gather3A_318, %gather3A_319 {pack_format = #tpu.pack_format<interleaved>, positions = array<i32: 0, 1>} : vector<16xf32>, vector<16xf32> -> vector<32xbf16>
      %pack3A_349 = tpu.pack_subelements %gather3A_320, %gather3A_321 {pack_format = #tpu.pack_format<interleaved>, positions = array<i32: 0, 1>} : vector<16xf32>, vector<16xf32> -> vector<32xbf16>
      %pack3A_350 = tpu.pack_subelements %gather3A_322, %gather3A_323 {pack_format = #tpu.pack_format<interleaved>, positions = array<i32: 0, 1>} : vector<16xf32>, vector<16xf32> -> vector<32xbf16>
      %pack3A_351 = tpu.pack_subelements %gather3A_324, %gather3A_325 {pack_format = #tpu.pack_format<interleaved>, positions = array<i32: 0, 1>} : vector<16xf32>, vector<16xf32> -> vector<32xbf16>
      %pack3A_352 = tpu.pack_subelements %gather3A_326, %gather3A_327 {pack_format = #tpu.pack_format<interleaved>, positions = array<i32: 0, 1>} : vector<16xf32>, vector<16xf32> -> vector<32xbf16>
      %pack3A_353 = tpu.pack_subelements %gather3A_328, %gather3A_329 {pack_format = #tpu.pack_format<interleaved>, positions = array<i32: 0, 1>} : vector<16xf32>, vector<16xf32> -> vector<32xbf16>
      %pack3A_354 = tpu.pack_subelements %gather3A_330, %gather3A_331 {pack_format = #tpu.pack_format<interleaved>, positions = array<i32: 0, 1>} : vector<16xf32>, vector<16xf32> -> vector<32xbf16>
      %pack3A_355 = tpu.pack_subelements %gather3A_332, %gather3A_333 {pack_format = #tpu.pack_format<interleaved>, positions = array<i32: 0, 1>} : vector<16xf32>, vector<16xf32> -> vector<32xbf16>
      %pack3A_356 = tpu.pack_subelements %gather3A_334, %gather3A_335 {pack_format = #tpu.pack_format<interleaved>, positions = array<i32: 0, 1>} : vector<16xf32>, vector<16xf32> -> vector<32xbf16>
      %pack3A_357 = tpu.pack_subelements %gather3A_336, %gather3A_337 {pack_format = #tpu.pack_format<interleaved>, positions = array<i32: 0, 1>} : vector<16xf32>, vector<16xf32> -> vector<32xbf16>
      %pack3A_358 = tpu.pack_subelements %gather3A_338, %gather3A_339 {pack_format = #tpu.pack_format<interleaved>, positions = array<i32: 0, 1>} : vector<16xf32>, vector<16xf32> -> vector<32xbf16>
      %pack3A_359 = tpu.pack_subelements %gather3A_340, %gather3A_341 {pack_format = #tpu.pack_format<interleaved>, positions = array<i32: 0, 1>} : vector<16xf32>, vector<16xf32> -> vector<32xbf16>
      %pack3A_360 = tpu.pack_subelements %gather3A_342, %gather3A_343 {pack_format = #tpu.pack_format<interleaved>, positions = array<i32: 0, 1>} : vector<16xf32>, vector<16xf32> -> vector<32xbf16>
      %pack3A_361 = tpu.pack_subelements %gather3A_344, %gather3A_345 {pack_format = #tpu.pack_format<interleaved>, positions = array<i32: 0, 1>} : vector<16xf32>, vector<16xf32> -> vector<32xbf16>
      %pack3A_362 = tpu.pack_subelements %gather3A_346, %gather3A_347 {pack_format = #tpu.pack_format<interleaved>, positions = array<i32: 0, 1>} : vector<16xf32>, vector<16xf32> -> vector<32xbf16>
      %max3A = arith.maximumf %pack3A, %pack3A_348 : vector<32xbf16>
      %min3A = arith.minimumf %pack3A, %pack3A_348 : vector<32xbf16>
      %max3A_363 = arith.maximumf %pack3A_349, %pack3A_350 : vector<32xbf16>
      %min3A_364 = arith.minimumf %pack3A_349, %pack3A_350 : vector<32xbf16>
      %max3A_365 = arith.maximumf %pack3A_351, %pack3A_352 : vector<32xbf16>
      %min3A_366 = arith.minimumf %pack3A_351, %pack3A_352 : vector<32xbf16>
      %max3A_367 = arith.maximumf %pack3A_353, %pack3A_354 : vector<32xbf16>
      %min3A_368 = arith.minimumf %pack3A_353, %pack3A_354 : vector<32xbf16>
      %max3A_369 = arith.maximumf %pack3A_355, %pack3A_356 : vector<32xbf16>
      %min3A_370 = arith.minimumf %pack3A_355, %pack3A_356 : vector<32xbf16>
      %max3A_371 = arith.maximumf %pack3A_357, %pack3A_358 : vector<32xbf16>
      %min3A_372 = arith.minimumf %pack3A_357, %pack3A_358 : vector<32xbf16>
      %max3A_373 = arith.maximumf %pack3A_359, %pack3A_360 : vector<32xbf16>
      %min3A_374 = arith.minimumf %pack3A_359, %pack3A_360 : vector<32xbf16>
      %max3A_375 = arith.maximumf %pack3A_361, %pack3A_362 : vector<32xbf16>
      %min3A_376 = arith.minimumf %pack3A_361, %pack3A_362 : vector<32xbf16>
      %max3A_377 = arith.maximumf %max3A, %max3A_363 : vector<32xbf16>
      %min3A_378 = arith.minimumf %max3A, %max3A_363 : vector<32xbf16>
      %max3A_379 = arith.maximumf %min3A, %min3A_364 : vector<32xbf16>
      %min3A_380 = arith.minimumf %min3A, %min3A_364 : vector<32xbf16>
      %max3A_381 = arith.maximumf %min3A_378, %max3A_379 : vector<32xbf16>
      %min3A_382 = arith.minimumf %min3A_378, %max3A_379 : vector<32xbf16>
      %max3A_383 = arith.maximumf %max3A_365, %max3A_367 : vector<32xbf16>
      %min3A_384 = arith.minimumf %max3A_365, %max3A_367 : vector<32xbf16>
      %max3A_385 = arith.maximumf %min3A_366, %min3A_368 : vector<32xbf16>
      %min3A_386 = arith.minimumf %min3A_366, %min3A_368 : vector<32xbf16>
      %max3A_387 = arith.maximumf %min3A_384, %max3A_385 : vector<32xbf16>
      %min3A_388 = arith.minimumf %min3A_384, %max3A_385 : vector<32xbf16>
      %max3A_389 = arith.maximumf %max3A_369, %max3A_371 : vector<32xbf16>
      %min3A_390 = arith.minimumf %max3A_369, %max3A_371 : vector<32xbf16>
      %max3A_391 = arith.maximumf %min3A_370, %min3A_372 : vector<32xbf16>
      %min3A_392 = arith.minimumf %min3A_370, %min3A_372 : vector<32xbf16>
      %max3A_393 = arith.maximumf %min3A_390, %max3A_391 : vector<32xbf16>
      %min3A_394 = arith.minimumf %min3A_390, %max3A_391 : vector<32xbf16>
      %max3A_395 = arith.maximumf %max3A_373, %max3A_375 : vector<32xbf16>
      %min3A_396 = arith.minimumf %max3A_373, %max3A_375 : vector<32xbf16>
      %max3A_397 = arith.maximumf %min3A_374, %min3A_376 : vector<32xbf16>
      %min3A_398 = arith.minimumf %min3A_374, %min3A_376 : vector<32xbf16>
      %max3A_399 = arith.maximumf %min3A_396, %max3A_397 : vector<32xbf16>
      %min3A_400 = arith.minimumf %min3A_396, %max3A_397 : vector<32xbf16>
      %max3A_401 = arith.maximumf %max3A_377, %min3A_386 : vector<32xbf16>
      %max3A_402 = arith.maximumf %max3A_381, %min3A_388 : vector<32xbf16>
      %max3A_403 = arith.maximumf %min3A_382, %max3A_387 : vector<32xbf16>
      %max3A_404 = arith.maximumf %min3A_380, %max3A_383 : vector<32xbf16>
      %max3A_405 = arith.maximumf %max3A_401, %max3A_403 : vector<32xbf16>
      %min3A_406 = arith.minimumf %max3A_401, %max3A_403 : vector<32xbf16>
      %max3A_407 = arith.maximumf %max3A_402, %max3A_404 : vector<32xbf16>
      %min3A_408 = arith.minimumf %max3A_402, %max3A_404 : vector<32xbf16>
      %max3A_409 = arith.maximumf %max3A_405, %max3A_407 : vector<32xbf16>
      %min3A_410 = arith.minimumf %max3A_405, %max3A_407 : vector<32xbf16>
      %max3A_411 = arith.maximumf %min3A_406, %min3A_408 : vector<32xbf16>
      %min3A_412 = arith.minimumf %min3A_406, %min3A_408 : vector<32xbf16>
      %max3A_413 = arith.maximumf %max3A_389, %min3A_398 : vector<32xbf16>
      %max3A_414 = arith.maximumf %max3A_393, %min3A_400 : vector<32xbf16>
      %max3A_415 = arith.maximumf %min3A_394, %max3A_399 : vector<32xbf16>
      %max3A_416 = arith.maximumf %min3A_392, %max3A_395 : vector<32xbf16>
      %max3A_417 = arith.maximumf %max3A_413, %max3A_415 : vector<32xbf16>
      %min3A_418 = arith.minimumf %max3A_413, %max3A_415 : vector<32xbf16>
      %max3A_419 = arith.maximumf %max3A_414, %max3A_416 : vector<32xbf16>
      %min3A_420 = arith.minimumf %max3A_414, %max3A_416 : vector<32xbf16>
      %max3A_421 = arith.maximumf %max3A_417, %max3A_419 : vector<32xbf16>
      %min3A_422 = arith.minimumf %max3A_417, %max3A_419 : vector<32xbf16>
      %max3A_423 = arith.maximumf %min3A_418, %min3A_420 : vector<32xbf16>
      %min3A_424 = arith.minimumf %min3A_418, %min3A_420 : vector<32xbf16>
      %max3A_425 = arith.maximumf %max3A_409, %min3A_424 : vector<32xbf16>
      %max3A_426 = arith.maximumf %min3A_410, %max3A_423 : vector<32xbf16>
      %max3A_427 = arith.maximumf %max3A_411, %min3A_422 : vector<32xbf16>
      %max3A_428 = arith.maximumf %min3A_412, %max3A_421 : vector<32xbf16>
      %max3A_429 = arith.maximumf %max3A_425, %max3A_427 : vector<32xbf16>
      %min3A_430 = arith.minimumf %max3A_425, %max3A_427 : vector<32xbf16>
      %max3A_431 = arith.maximumf %max3A_426, %max3A_428 : vector<32xbf16>
      %min3A_432 = arith.minimumf %max3A_426, %max3A_428 : vector<32xbf16>
      %max3A_433 = arith.maximumf %max3A_429, %max3A_431 : vector<32xbf16>
      %min3A_434 = arith.minimumf %max3A_429, %max3A_431 : vector<32xbf16>
      %max3A_435 = arith.maximumf %min3A_430, %min3A_432 : vector<32xbf16>
      %min3A_436 = arith.minimumf %min3A_430, %min3A_432 : vector<32xbf16>
      %unpack3A = tpu.unpack_subelements %max3A_433, 0 {pack_format = #tpu.pack_format<interleaved>} : vector<32xbf16> -> vector<16xf32>
      %unpack3A_437 = tpu.unpack_subelements %max3A_433, 1 {pack_format = #tpu.pack_format<interleaved>} : vector<32xbf16> -> vector<16xf32>
      %unpack3A_438 = tpu.unpack_subelements %min3A_434, 0 {pack_format = #tpu.pack_format<interleaved>} : vector<32xbf16> -> vector<16xf32>
      %unpack3A_439 = tpu.unpack_subelements %min3A_434, 1 {pack_format = #tpu.pack_format<interleaved>} : vector<32xbf16> -> vector<16xf32>
      %unpack3A_440 = tpu.unpack_subelements %max3A_435, 0 {pack_format = #tpu.pack_format<interleaved>} : vector<32xbf16> -> vector<16xf32>
      %unpack3A_441 = tpu.unpack_subelements %max3A_435, 1 {pack_format = #tpu.pack_format<interleaved>} : vector<32xbf16> -> vector<16xf32>
      %unpack3A_442 = tpu.unpack_subelements %min3A_436, 0 {pack_format = #tpu.pack_format<interleaved>} : vector<32xbf16> -> vector<16xf32>
      %unpack3A_443 = tpu.unpack_subelements %min3A_436, 1 {pack_format = #tpu.pack_format<interleaved>} : vector<32xbf16> -> vector<16xf32>
      %max3A_444 = arith.maximumf %unpack3A, %unpack3A_443 : vector<16xf32>
      %max3A_445 = arith.maximumf %unpack3A_438, %unpack3A_441 : vector<16xf32>
      %max3A_446 = arith.maximumf %unpack3A_440, %unpack3A_439 : vector<16xf32>
      %max3A_447 = arith.maximumf %unpack3A_442, %unpack3A_437 : vector<16xf32>
      %gt3A = arith.cmpf ogt, %max3A_444, %broadcast_in_dim3A_50 : vector<16xf32>
      %select_n3A = arith.select %gt3A, %broadcast_in_dim3A_52, %broadcast_in_dim3A_54 : vector<16xi1>, vector<16xf32>
      %add3A_448 = arith.addf %broadcast_in_dim3A_54, %select_n3A : vector<16xf32>
      %gt3A_449 = arith.cmpf ogt, %max3A_445, %broadcast_in_dim3A_50 : vector<16xf32>
      %select_n3A_450 = arith.select %gt3A_449, %broadcast_in_dim3A_52, %broadcast_in_dim3A_54 : vector<16xi1>, vector<16xf32>
      %add3A_451 = arith.addf %add3A_448, %select_n3A_450 : vector<16xf32>
      %gt3A_452 = arith.cmpf ogt, %max3A_446, %broadcast_in_dim3A_50 : vector<16xf32>
      %select_n3A_453 = arith.select %gt3A_452, %broadcast_in_dim3A_52, %broadcast_in_dim3A_54 : vector<16xi1>, vector<16xf32>
      %add3A_454 = arith.addf %add3A_451, %select_n3A_453 : vector<16xf32>
      %gt3A_455 = arith.cmpf ogt, %max3A_447, %broadcast_in_dim3A_50 : vector<16xf32>
      %select_n3A_456 = arith.select %gt3A_455, %broadcast_in_dim3A_52, %broadcast_in_dim3A_54 : vector<16xi1>, vector<16xf32>
      %add3A_457 = arith.addf %add3A_454, %select_n3A_456 : vector<16xf32>
      %add3A_458 = arith.addf %scan3A_312, %add3A_457 : vector<16xf32>
      scf.yield %add3A_458 : vector<16xf32>
    }
    %scan3A_259 = arith.constant 16 : i32
    %dma_wait3A_260 = arith.constant 256 : i32
    %dma_wait3A_261 = arith.constant 0 : i32
    %dma_wait3A_262 = tpu.memref_slice %arg4[%dma_wait3A_260, %dma_wait3A_261] : memref<1024x32xf32, #tpu.memory_space<vmem>> -> memref<256x32xf32, #tpu.memory_space<vmem>>
    %dma_wait3A_263 = arith.constant 0 : i32
    %dma_wait3A_264 = tpu.memref_slice %arg2[%add3A_15, %dma_wait3A_263] : memref<32768x32xf32, #tpu.memory_space<hbm>> -> memref<256x32xf32, #tpu.memory_space<hbm>>
    %dma_wait3A_265 = arith.constant 256 : i32
    %dma_wait3A_266 = arith.constant 0 : i32
    %dma_wait3A_267 = tpu.memref_slice %arg4[%dma_wait3A_265, %dma_wait3A_266] : memref<1024x32xf32, #tpu.memory_space<vmem>> -> memref<256x32xf32, #tpu.memory_space<vmem>>
    %dma_wait3A_268 = arith.constant 0 : i32
    %dma_wait3A_269 = tpu.memref_slice %arg2[%add3A_15, %dma_wait3A_268] : memref<32768x32xf32, #tpu.memory_space<hbm>> -> memref<256x32xf32, #tpu.memory_space<hbm>>
    tpu.wait_dma2 semaphore(%arg6 : memref<!tpu.dma_semaphore, #tpu.memory_space<semaphore_mem>>) src(%dma_wait3A_269 : memref<256x32xf32, #tpu.memory_space<hbm>>) dst(%dma_wait3A_267 : memref<256x32xf32, #tpu.memory_space<vmem>>)
    %scan3A_270 = arith.constant 16 : i32
    %scan3A_271 = arith.constant 16 : i32
    %scan3A_272 = arith.addi %scan3A_270, %scan3A_271 : i32
    %scan3A_273 = arith.constant 1 : i32
    %scan3A_274 = scf.for %scan3A_311 = %scan3A_270 to %scan3A_272 step %scan3A_273 iter_args(%scan3A_312 = %scan3A_258) -> (vector<16xf32>)  : i32 {
      %mul3A_313 = arith.constant 16 : i32
      %mul3A_314 = arith.muli %scan3A_311, %mul3A_313 : i32
      %add3A_315 = vector.broadcast %mul3A_314 : i32 to vector<16xi32>
      %add3A_316 = arith.addi %add3A_315, %iota3A : vector<16xi32>
      %gather3A = tpu.vector_load_idx %arg4[%add3A_316, %and3A_59] : memref<1024x32xf32, #tpu.memory_space<vmem>>[vector<16xi32>, vector<16xi32>], vector<16xf32>,
      %gather3A_317 = tpu.vector_load_idx %arg4[%add3A_316, %and3A_65] : memref<1024x32xf32, #tpu.memory_space<vmem>>[vector<16xi32>, vector<16xi32>], vector<16xf32>,
      %gather3A_318 = tpu.vector_load_idx %arg4[%add3A_316, %and3A_71] : memref<1024x32xf32, #tpu.memory_space<vmem>>[vector<16xi32>, vector<16xi32>], vector<16xf32>,
      %gather3A_319 = tpu.vector_load_idx %arg4[%add3A_316, %and3A_77] : memref<1024x32xf32, #tpu.memory_space<vmem>>[vector<16xi32>, vector<16xi32>], vector<16xf32>,
      %gather3A_320 = tpu.vector_load_idx %arg4[%add3A_316, %and3A_83] : memref<1024x32xf32, #tpu.memory_space<vmem>>[vector<16xi32>, vector<16xi32>], vector<16xf32>,
      %gather3A_321 = tpu.vector_load_idx %arg4[%add3A_316, %and3A_89] : memref<1024x32xf32, #tpu.memory_space<vmem>>[vector<16xi32>, vector<16xi32>], vector<16xf32>,
      %gather3A_322 = tpu.vector_load_idx %arg4[%add3A_316, %and3A_95] : memref<1024x32xf32, #tpu.memory_space<vmem>>[vector<16xi32>, vector<16xi32>], vector<16xf32>,
      %gather3A_323 = tpu.vector_load_idx %arg4[%add3A_316, %and3A_101] : memref<1024x32xf32, #tpu.memory_space<vmem>>[vector<16xi32>, vector<16xi32>], vector<16xf32>,
      %gather3A_324 = tpu.vector_load_idx %arg4[%add3A_316, %and3A_107] : memref<1024x32xf32, #tpu.memory_space<vmem>>[vector<16xi32>, vector<16xi32>], vector<16xf32>,
      %gather3A_325 = tpu.vector_load_idx %arg4[%add3A_316, %and3A_113] : memref<1024x32xf32, #tpu.memory_space<vmem>>[vector<16xi32>, vector<16xi32>], vector<16xf32>,
      %gather3A_326 = tpu.vector_load_idx %arg4[%add3A_316, %and3A_119] : memref<1024x32xf32, #tpu.memory_space<vmem>>[vector<16xi32>, vector<16xi32>], vector<16xf32>,
      %gather3A_327 = tpu.vector_load_idx %arg4[%add3A_316, %and3A_125] : memref<1024x32xf32, #tpu.memory_space<vmem>>[vector<16xi32>, vector<16xi32>], vector<16xf32>,
      %gather3A_328 = tpu.vector_load_idx %arg4[%add3A_316, %and3A_131] : memref<1024x32xf32, #tpu.memory_space<vmem>>[vector<16xi32>, vector<16xi32>], vector<16xf32>,
      %gather3A_329 = tpu.vector_load_idx %arg4[%add3A_316, %and3A_137] : memref<1024x32xf32, #tpu.memory_space<vmem>>[vector<16xi32>, vector<16xi32>], vector<16xf32>,
      %gather3A_330 = tpu.vector_load_idx %arg4[%add3A_316, %and3A_143] : memref<1024x32xf32, #tpu.memory_space<vmem>>[vector<16xi32>, vector<16xi32>], vector<16xf32>,
      %gather3A_331 = tpu.vector_load_idx %arg4[%add3A_316, %and3A_149] : memref<1024x32xf32, #tpu.memory_space<vmem>>[vector<16xi32>, vector<16xi32>], vector<16xf32>,
      %gather3A_332 = tpu.vector_load_idx %arg4[%add3A_316, %and3A_155] : memref<1024x32xf32, #tpu.memory_space<vmem>>[vector<16xi32>, vector<16xi32>], vector<16xf32>,
      %gather3A_333 = tpu.vector_load_idx %arg4[%add3A_316, %and3A_161] : memref<1024x32xf32, #tpu.memory_space<vmem>>[vector<16xi32>, vector<16xi32>], vector<16xf32>,
      %gather3A_334 = tpu.vector_load_idx %arg4[%add3A_316, %and3A_167] : memref<1024x32xf32, #tpu.memory_space<vmem>>[vector<16xi32>, vector<16xi32>], vector<16xf32>,
      %gather3A_335 = tpu.vector_load_idx %arg4[%add3A_316, %and3A_173] : memref<1024x32xf32, #tpu.memory_space<vmem>>[vector<16xi32>, vector<16xi32>], vector<16xf32>,
      %gather3A_336 = tpu.vector_load_idx %arg4[%add3A_316, %and3A_179] : memref<1024x32xf32, #tpu.memory_space<vmem>>[vector<16xi32>, vector<16xi32>], vector<16xf32>,
      %gather3A_337 = tpu.vector_load_idx %arg4[%add3A_316, %and3A_185] : memref<1024x32xf32, #tpu.memory_space<vmem>>[vector<16xi32>, vector<16xi32>], vector<16xf32>,
      %gather3A_338 = tpu.vector_load_idx %arg4[%add3A_316, %and3A_191] : memref<1024x32xf32, #tpu.memory_space<vmem>>[vector<16xi32>, vector<16xi32>], vector<16xf32>,
      %gather3A_339 = tpu.vector_load_idx %arg4[%add3A_316, %and3A_197] : memref<1024x32xf32, #tpu.memory_space<vmem>>[vector<16xi32>, vector<16xi32>], vector<16xf32>,
      %gather3A_340 = tpu.vector_load_idx %arg4[%add3A_316, %and3A_203] : memref<1024x32xf32, #tpu.memory_space<vmem>>[vector<16xi32>, vector<16xi32>], vector<16xf32>,
      %gather3A_341 = tpu.vector_load_idx %arg4[%add3A_316, %and3A_209] : memref<1024x32xf32, #tpu.memory_space<vmem>>[vector<16xi32>, vector<16xi32>], vector<16xf32>,
      %gather3A_342 = tpu.vector_load_idx %arg4[%add3A_316, %and3A_215] : memref<1024x32xf32, #tpu.memory_space<vmem>>[vector<16xi32>, vector<16xi32>], vector<16xf32>,
      %gather3A_343 = tpu.vector_load_idx %arg4[%add3A_316, %and3A_221] : memref<1024x32xf32, #tpu.memory_space<vmem>>[vector<16xi32>, vector<16xi32>], vector<16xf32>,
      %gather3A_344 = tpu.vector_load_idx %arg4[%add3A_316, %and3A_227] : memref<1024x32xf32, #tpu.memory_space<vmem>>[vector<16xi32>, vector<16xi32>], vector<16xf32>,
      %gather3A_345 = tpu.vector_load_idx %arg4[%add3A_316, %and3A_233] : memref<1024x32xf32, #tpu.memory_space<vmem>>[vector<16xi32>, vector<16xi32>], vector<16xf32>,
      %gather3A_346 = tpu.vector_load_idx %arg4[%add3A_316, %and3A_239] : memref<1024x32xf32, #tpu.memory_space<vmem>>[vector<16xi32>, vector<16xi32>], vector<16xf32>,
      %gather3A_347 = tpu.vector_load_idx %arg4[%add3A_316, %and3A_245] : memref<1024x32xf32, #tpu.memory_space<vmem>>[vector<16xi32>, vector<16xi32>], vector<16xf32>,
      %pack3A = tpu.pack_subelements %gather3A, %gather3A_317 {pack_format = #tpu.pack_format<interleaved>, positions = array<i32: 0, 1>} : vector<16xf32>, vector<16xf32> -> vector<32xbf16>
      %pack3A_348 = tpu.pack_subelements %gather3A_318, %gather3A_319 {pack_format = #tpu.pack_format<interleaved>, positions = array<i32: 0, 1>} : vector<16xf32>, vector<16xf32> -> vector<32xbf16>
      %pack3A_349 = tpu.pack_subelements %gather3A_320, %gather3A_321 {pack_format = #tpu.pack_format<interleaved>, positions = array<i32: 0, 1>} : vector<16xf32>, vector<16xf32> -> vector<32xbf16>
      %pack3A_350 = tpu.pack_subelements %gather3A_322, %gather3A_323 {pack_format = #tpu.pack_format<interleaved>, positions = array<i32: 0, 1>} : vector<16xf32>, vector<16xf32> -> vector<32xbf16>
      %pack3A_351 = tpu.pack_subelements %gather3A_324, %gather3A_325 {pack_format = #tpu.pack_format<interleaved>, positions = array<i32: 0, 1>} : vector<16xf32>, vector<16xf32> -> vector<32xbf16>
      %pack3A_352 = tpu.pack_subelements %gather3A_326, %gather3A_327 {pack_format = #tpu.pack_format<interleaved>, positions = array<i32: 0, 1>} : vector<16xf32>, vector<16xf32> -> vector<32xbf16>
      %pack3A_353 = tpu.pack_subelements %gather3A_328, %gather3A_329 {pack_format = #tpu.pack_format<interleaved>, positions = array<i32: 0, 1>} : vector<16xf32>, vector<16xf32> -> vector<32xbf16>
      %pack3A_354 = tpu.pack_subelements %gather3A_330, %gather3A_331 {pack_format = #tpu.pack_format<interleaved>, positions = array<i32: 0, 1>} : vector<16xf32>, vector<16xf32> -> vector<32xbf16>
      %pack3A_355 = tpu.pack_subelements %gather3A_332, %gather3A_333 {pack_format = #tpu.pack_format<interleaved>, positions = array<i32: 0, 1>} : vector<16xf32>, vector<16xf32> -> vector<32xbf16>
      %pack3A_356 = tpu.pack_subelements %gather3A_334, %gather3A_335 {pack_format = #tpu.pack_format<interleaved>, positions = array<i32: 0, 1>} : vector<16xf32>, vector<16xf32> -> vector<32xbf16>
      %pack3A_357 = tpu.pack_subelements %gather3A_336, %gather3A_337 {pack_format = #tpu.pack_format<interleaved>, positions = array<i32: 0, 1>} : vector<16xf32>, vector<16xf32> -> vector<32xbf16>
      %pack3A_358 = tpu.pack_subelements %gather3A_338, %gather3A_339 {pack_format = #tpu.pack_format<interleaved>, positions = array<i32: 0, 1>} : vector<16xf32>, vector<16xf32> -> vector<32xbf16>
      %pack3A_359 = tpu.pack_subelements %gather3A_340, %gather3A_341 {pack_format = #tpu.pack_format<interleaved>, positions = array<i32: 0, 1>} : vector<16xf32>, vector<16xf32> -> vector<32xbf16>
      %pack3A_360 = tpu.pack_subelements %gather3A_342, %gather3A_343 {pack_format = #tpu.pack_format<interleaved>, positions = array<i32: 0, 1>} : vector<16xf32>, vector<16xf32> -> vector<32xbf16>
      %pack3A_361 = tpu.pack_subelements %gather3A_344, %gather3A_345 {pack_format = #tpu.pack_format<interleaved>, positions = array<i32: 0, 1>} : vector<16xf32>, vector<16xf32> -> vector<32xbf16>
      %pack3A_362 = tpu.pack_subelements %gather3A_346, %gather3A_347 {pack_format = #tpu.pack_format<interleaved>, positions = array<i32: 0, 1>} : vector<16xf32>, vector<16xf32> -> vector<32xbf16>
      %max3A = arith.maximumf %pack3A, %pack3A_348 : vector<32xbf16>
      %min3A = arith.minimumf %pack3A, %pack3A_348 : vector<32xbf16>
      %max3A_363 = arith.maximumf %pack3A_349, %pack3A_350 : vector<32xbf16>
      %min3A_364 = arith.minimumf %pack3A_349, %pack3A_350 : vector<32xbf16>
      %max3A_365 = arith.maximumf %pack3A_351, %pack3A_352 : vector<32xbf16>
      %min3A_366 = arith.minimumf %pack3A_351, %pack3A_352 : vector<32xbf16>
      %max3A_367 = arith.maximumf %pack3A_353, %pack3A_354 : vector<32xbf16>
      %min3A_368 = arith.minimumf %pack3A_353, %pack3A_354 : vector<32xbf16>
      %max3A_369 = arith.maximumf %pack3A_355, %pack3A_356 : vector<32xbf16>
      %min3A_370 = arith.minimumf %pack3A_355, %pack3A_356 : vector<32xbf16>
      %max3A_371 = arith.maximumf %pack3A_357, %pack3A_358 : vector<32xbf16>
      %min3A_372 = arith.minimumf %pack3A_357, %pack3A_358 : vector<32xbf16>
      %max3A_373 = arith.maximumf %pack3A_359, %pack3A_360 : vector<32xbf16>
      %min3A_374 = arith.minimumf %pack3A_359, %pack3A_360 : vector<32xbf16>
      %max3A_375 = arith.maximumf %pack3A_361, %pack3A_362 : vector<32xbf16>
      %min3A_376 = arith.minimumf %pack3A_361, %pack3A_362 : vector<32xbf16>
      %max3A_377 = arith.maximumf %max3A, %max3A_363 : vector<32xbf16>
      %min3A_378 = arith.minimumf %max3A, %max3A_363 : vector<32xbf16>
      %max3A_379 = arith.maximumf %min3A, %min3A_364 : vector<32xbf16>
      %min3A_380 = arith.minimumf %min3A, %min3A_364 : vector<32xbf16>
      %max3A_381 = arith.maximumf %min3A_378, %max3A_379 : vector<32xbf16>
      %min3A_382 = arith.minimumf %min3A_378, %max3A_379 : vector<32xbf16>
      %max3A_383 = arith.maximumf %max3A_365, %max3A_367 : vector<32xbf16>
      %min3A_384 = arith.minimumf %max3A_365, %max3A_367 : vector<32xbf16>
      %max3A_385 = arith.maximumf %min3A_366, %min3A_368 : vector<32xbf16>
      %min3A_386 = arith.minimumf %min3A_366, %min3A_368 : vector<32xbf16>
      %max3A_387 = arith.maximumf %min3A_384, %max3A_385 : vector<32xbf16>
      %min3A_388 = arith.minimumf %min3A_384, %max3A_385 : vector<32xbf16>
      %max3A_389 = arith.maximumf %max3A_369, %max3A_371 : vector<32xbf16>
      %min3A_390 = arith.minimumf %max3A_369, %max3A_371 : vector<32xbf16>
      %max3A_391 = arith.maximumf %min3A_370, %min3A_372 : vector<32xbf16>
      %min3A_392 = arith.minimumf %min3A_370, %min3A_372 : vector<32xbf16>
      %max3A_393 = arith.maximumf %min3A_390, %max3A_391 : vector<32xbf16>
      %min3A_394 = arith.minimumf %min3A_390, %max3A_391 : vector<32xbf16>
      %max3A_395 = arith.maximumf %max3A_373, %max3A_375 : vector<32xbf16>
      %min3A_396 = arith.minimumf %max3A_373, %max3A_375 : vector<32xbf16>
      %max3A_397 = arith.maximumf %min3A_374, %min3A_376 : vector<32xbf16>
      %min3A_398 = arith.minimumf %min3A_374, %min3A_376 : vector<32xbf16>
      %max3A_399 = arith.maximumf %min3A_396, %max3A_397 : vector<32xbf16>
      %min3A_400 = arith.minimumf %min3A_396, %max3A_397 : vector<32xbf16>
      %max3A_401 = arith.maximumf %max3A_377, %min3A_386 : vector<32xbf16>
      %max3A_402 = arith.maximumf %max3A_381, %min3A_388 : vector<32xbf16>
      %max3A_403 = arith.maximumf %min3A_382, %max3A_387 : vector<32xbf16>
      %max3A_404 = arith.maximumf %min3A_380, %max3A_383 : vector<32xbf16>
      %max3A_405 = arith.maximumf %max3A_401, %max3A_403 : vector<32xbf16>
      %min3A_406 = arith.minimumf %max3A_401, %max3A_403 : vector<32xbf16>
      %max3A_407 = arith.maximumf %max3A_402, %max3A_404 : vector<32xbf16>
      %min3A_408 = arith.minimumf %max3A_402, %max3A_404 : vector<32xbf16>
      %max3A_409 = arith.maximumf %max3A_405, %max3A_407 : vector<32xbf16>
      %min3A_410 = arith.minimumf %max3A_405, %max3A_407 : vector<32xbf16>
      %max3A_411 = arith.maximumf %min3A_406, %min3A_408 : vector<32xbf16>
      %min3A_412 = arith.minimumf %min3A_406, %min3A_408 : vector<32xbf16>
      %max3A_413 = arith.maximumf %max3A_389, %min3A_398 : vector<32xbf16>
      %max3A_414 = arith.maximumf %max3A_393, %min3A_400 : vector<32xbf16>
      %max3A_415 = arith.maximumf %min3A_394, %max3A_399 : vector<32xbf16>
      %max3A_416 = arith.maximumf %min3A_392, %max3A_395 : vector<32xbf16>
      %max3A_417 = arith.maximumf %max3A_413, %max3A_415 : vector<32xbf16>
      %min3A_418 = arith.minimumf %max3A_413, %max3A_415 : vector<32xbf16>
      %max3A_419 = arith.maximumf %max3A_414, %max3A_416 : vector<32xbf16>
      %min3A_420 = arith.minimumf %max3A_414, %max3A_416 : vector<32xbf16>
      %max3A_421 = arith.maximumf %max3A_417, %max3A_419 : vector<32xbf16>
      %min3A_422 = arith.minimumf %max3A_417, %max3A_419 : vector<32xbf16>
      %max3A_423 = arith.maximumf %min3A_418, %min3A_420 : vector<32xbf16>
      %min3A_424 = arith.minimumf %min3A_418, %min3A_420 : vector<32xbf16>
      %max3A_425 = arith.maximumf %max3A_409, %min3A_424 : vector<32xbf16>
      %max3A_426 = arith.maximumf %min3A_410, %max3A_423 : vector<32xbf16>
      %max3A_427 = arith.maximumf %max3A_411, %min3A_422 : vector<32xbf16>
      %max3A_428 = arith.maximumf %min3A_412, %max3A_421 : vector<32xbf16>
      %max3A_429 = arith.maximumf %max3A_425, %max3A_427 : vector<32xbf16>
      %min3A_430 = arith.minimumf %max3A_425, %max3A_427 : vector<32xbf16>
      %max3A_431 = arith.maximumf %max3A_426, %max3A_428 : vector<32xbf16>
      %min3A_432 = arith.minimumf %max3A_426, %max3A_428 : vector<32xbf16>
      %max3A_433 = arith.maximumf %max3A_429, %max3A_431 : vector<32xbf16>
      %min3A_434 = arith.minimumf %max3A_429, %max3A_431 : vector<32xbf16>
      %max3A_435 = arith.maximumf %min3A_430, %min3A_432 : vector<32xbf16>
      %min3A_436 = arith.minimumf %min3A_430, %min3A_432 : vector<32xbf16>
      %unpack3A = tpu.unpack_subelements %max3A_433, 0 {pack_format = #tpu.pack_format<interleaved>} : vector<32xbf16> -> vector<16xf32>
      %unpack3A_437 = tpu.unpack_subelements %max3A_433, 1 {pack_format = #tpu.pack_format<interleaved>} : vector<32xbf16> -> vector<16xf32>
      %unpack3A_438 = tpu.unpack_subelements %min3A_434, 0 {pack_format = #tpu.pack_format<interleaved>} : vector<32xbf16> -> vector<16xf32>
      %unpack3A_439 = tpu.unpack_subelements %min3A_434, 1 {pack_format = #tpu.pack_format<interleaved>} : vector<32xbf16> -> vector<16xf32>
      %unpack3A_440 = tpu.unpack_subelements %max3A_435, 0 {pack_format = #tpu.pack_format<interleaved>} : vector<32xbf16> -> vector<16xf32>
      %unpack3A_441 = tpu.unpack_subelements %max3A_435, 1 {pack_format = #tpu.pack_format<interleaved>} : vector<32xbf16> -> vector<16xf32>
      %unpack3A_442 = tpu.unpack_subelements %min3A_436, 0 {pack_format = #tpu.pack_format<interleaved>} : vector<32xbf16> -> vector<16xf32>
      %unpack3A_443 = tpu.unpack_subelements %min3A_436, 1 {pack_format = #tpu.pack_format<interleaved>} : vector<32xbf16> -> vector<16xf32>
      %max3A_444 = arith.maximumf %unpack3A, %unpack3A_443 : vector<16xf32>
      %max3A_445 = arith.maximumf %unpack3A_438, %unpack3A_441 : vector<16xf32>
      %max3A_446 = arith.maximumf %unpack3A_440, %unpack3A_439 : vector<16xf32>
      %max3A_447 = arith.maximumf %unpack3A_442, %unpack3A_437 : vector<16xf32>
      %gt3A = arith.cmpf ogt, %max3A_444, %broadcast_in_dim3A_50 : vector<16xf32>
      %select_n3A = arith.select %gt3A, %broadcast_in_dim3A_52, %broadcast_in_dim3A_54 : vector<16xi1>, vector<16xf32>
      %add3A_448 = arith.addf %broadcast_in_dim3A_54, %select_n3A : vector<16xf32>
      %gt3A_449 = arith.cmpf ogt, %max3A_445, %broadcast_in_dim3A_50 : vector<16xf32>
      %select_n3A_450 = arith.select %gt3A_449, %broadcast_in_dim3A_52, %broadcast_in_dim3A_54 : vector<16xi1>, vector<16xf32>
      %add3A_451 = arith.addf %add3A_448, %select_n3A_450 : vector<16xf32>
      %gt3A_452 = arith.cmpf ogt, %max3A_446, %broadcast_in_dim3A_50 : vector<16xf32>
      %select_n3A_453 = arith.select %gt3A_452, %broadcast_in_dim3A_52, %broadcast_in_dim3A_54 : vector<16xi1>, vector<16xf32>
      %add3A_454 = arith.addf %add3A_451, %select_n3A_453 : vector<16xf32>
      %gt3A_455 = arith.cmpf ogt, %max3A_447, %broadcast_in_dim3A_50 : vector<16xf32>
      %select_n3A_456 = arith.select %gt3A_455, %broadcast_in_dim3A_52, %broadcast_in_dim3A_54 : vector<16xi1>, vector<16xf32>
      %add3A_457 = arith.addf %add3A_454, %select_n3A_456 : vector<16xf32>
      %add3A_458 = arith.addf %scan3A_312, %add3A_457 : vector<16xf32>
      scf.yield %add3A_458 : vector<16xf32>
    }
    %scan3A_275 = arith.constant 16 : i32
    %dma_wait3A_276 = arith.constant 512 : i32
    %dma_wait3A_277 = arith.constant 0 : i32
    %dma_wait3A_278 = tpu.memref_slice %arg4[%dma_wait3A_276, %dma_wait3A_277] : memref<1024x32xf32, #tpu.memory_space<vmem>> -> memref<256x32xf32, #tpu.memory_space<vmem>>
    %dma_wait3A_279 = arith.constant 0 : i32
    %dma_wait3A_280 = tpu.memref_slice %arg2[%add3A_27, %dma_wait3A_279] : memref<32768x32xf32, #tpu.memory_space<hbm>> -> memref<256x32xf32, #tpu.memory_space<hbm>>
    %dma_wait3A_281 = arith.constant 512 : i32
    %dma_wait3A_282 = arith.constant 0 : i32
    %dma_wait3A_283 = tpu.memref_slice %arg4[%dma_wait3A_281, %dma_wait3A_282] : memref<1024x32xf32, #tpu.memory_space<vmem>> -> memref<256x32xf32, #tpu.memory_space<vmem>>
    %dma_wait3A_284 = arith.constant 0 : i32
    %dma_wait3A_285 = tpu.memref_slice %arg2[%add3A_27, %dma_wait3A_284] : memref<32768x32xf32, #tpu.memory_space<hbm>> -> memref<256x32xf32, #tpu.memory_space<hbm>>
    tpu.wait_dma2 semaphore(%arg6 : memref<!tpu.dma_semaphore, #tpu.memory_space<semaphore_mem>>) src(%dma_wait3A_285 : memref<256x32xf32, #tpu.memory_space<hbm>>) dst(%dma_wait3A_283 : memref<256x32xf32, #tpu.memory_space<vmem>>)
    %scan3A_286 = arith.constant 32 : i32
    %scan3A_287 = arith.constant 16 : i32
    %scan3A_288 = arith.addi %scan3A_286, %scan3A_287 : i32
    %scan3A_289 = arith.constant 1 : i32
    %scan3A_290 = scf.for %scan3A_311 = %scan3A_286 to %scan3A_288 step %scan3A_289 iter_args(%scan3A_312 = %scan3A_274) -> (vector<16xf32>)  : i32 {
      %mul3A_313 = arith.constant 16 : i32
      %mul3A_314 = arith.muli %scan3A_311, %mul3A_313 : i32
      %add3A_315 = vector.broadcast %mul3A_314 : i32 to vector<16xi32>
      %add3A_316 = arith.addi %add3A_315, %iota3A : vector<16xi32>
      %gather3A = tpu.vector_load_idx %arg4[%add3A_316, %and3A_59] : memref<1024x32xf32, #tpu.memory_space<vmem>>[vector<16xi32>, vector<16xi32>], vector<16xf32>,
      %gather3A_317 = tpu.vector_load_idx %arg4[%add3A_316, %and3A_65] : memref<1024x32xf32, #tpu.memory_space<vmem>>[vector<16xi32>, vector<16xi32>], vector<16xf32>,
      %gather3A_318 = tpu.vector_load_idx %arg4[%add3A_316, %and3A_71] : memref<1024x32xf32, #tpu.memory_space<vmem>>[vector<16xi32>, vector<16xi32>], vector<16xf32>,
      %gather3A_319 = tpu.vector_load_idx %arg4[%add3A_316, %and3A_77] : memref<1024x32xf32, #tpu.memory_space<vmem>>[vector<16xi32>, vector<16xi32>], vector<16xf32>,
      %gather3A_320 = tpu.vector_load_idx %arg4[%add3A_316, %and3A_83] : memref<1024x32xf32, #tpu.memory_space<vmem>>[vector<16xi32>, vector<16xi32>], vector<16xf32>,
      %gather3A_321 = tpu.vector_load_idx %arg4[%add3A_316, %and3A_89] : memref<1024x32xf32, #tpu.memory_space<vmem>>[vector<16xi32>, vector<16xi32>], vector<16xf32>,
      %gather3A_322 = tpu.vector_load_idx %arg4[%add3A_316, %and3A_95] : memref<1024x32xf32, #tpu.memory_space<vmem>>[vector<16xi32>, vector<16xi32>], vector<16xf32>,
      %gather3A_323 = tpu.vector_load_idx %arg4[%add3A_316, %and3A_101] : memref<1024x32xf32, #tpu.memory_space<vmem>>[vector<16xi32>, vector<16xi32>], vector<16xf32>,
      %gather3A_324 = tpu.vector_load_idx %arg4[%add3A_316, %and3A_107] : memref<1024x32xf32, #tpu.memory_space<vmem>>[vector<16xi32>, vector<16xi32>], vector<16xf32>,
      %gather3A_325 = tpu.vector_load_idx %arg4[%add3A_316, %and3A_113] : memref<1024x32xf32, #tpu.memory_space<vmem>>[vector<16xi32>, vector<16xi32>], vector<16xf32>,
      %gather3A_326 = tpu.vector_load_idx %arg4[%add3A_316, %and3A_119] : memref<1024x32xf32, #tpu.memory_space<vmem>>[vector<16xi32>, vector<16xi32>], vector<16xf32>,
      %gather3A_327 = tpu.vector_load_idx %arg4[%add3A_316, %and3A_125] : memref<1024x32xf32, #tpu.memory_space<vmem>>[vector<16xi32>, vector<16xi32>], vector<16xf32>,
      %gather3A_328 = tpu.vector_load_idx %arg4[%add3A_316, %and3A_131] : memref<1024x32xf32, #tpu.memory_space<vmem>>[vector<16xi32>, vector<16xi32>], vector<16xf32>,
      %gather3A_329 = tpu.vector_load_idx %arg4[%add3A_316, %and3A_137] : memref<1024x32xf32, #tpu.memory_space<vmem>>[vector<16xi32>, vector<16xi32>], vector<16xf32>,
      %gather3A_330 = tpu.vector_load_idx %arg4[%add3A_316, %and3A_143] : memref<1024x32xf32, #tpu.memory_space<vmem>>[vector<16xi32>, vector<16xi32>], vector<16xf32>,
      %gather3A_331 = tpu.vector_load_idx %arg4[%add3A_316, %and3A_149] : memref<1024x32xf32, #tpu.memory_space<vmem>>[vector<16xi32>, vector<16xi32>], vector<16xf32>,
      %gather3A_332 = tpu.vector_load_idx %arg4[%add3A_316, %and3A_155] : memref<1024x32xf32, #tpu.memory_space<vmem>>[vector<16xi32>, vector<16xi32>], vector<16xf32>,
      %gather3A_333 = tpu.vector_load_idx %arg4[%add3A_316, %and3A_161] : memref<1024x32xf32, #tpu.memory_space<vmem>>[vector<16xi32>, vector<16xi32>], vector<16xf32>,
      %gather3A_334 = tpu.vector_load_idx %arg4[%add3A_316, %and3A_167] : memref<1024x32xf32, #tpu.memory_space<vmem>>[vector<16xi32>, vector<16xi32>], vector<16xf32>,
      %gather3A_335 = tpu.vector_load_idx %arg4[%add3A_316, %and3A_173] : memref<1024x32xf32, #tpu.memory_space<vmem>>[vector<16xi32>, vector<16xi32>], vector<16xf32>,
      %gather3A_336 = tpu.vector_load_idx %arg4[%add3A_316, %and3A_179] : memref<1024x32xf32, #tpu.memory_space<vmem>>[vector<16xi32>, vector<16xi32>], vector<16xf32>,
      %gather3A_337 = tpu.vector_load_idx %arg4[%add3A_316, %and3A_185] : memref<1024x32xf32, #tpu.memory_space<vmem>>[vector<16xi32>, vector<16xi32>], vector<16xf32>,
      %gather3A_338 = tpu.vector_load_idx %arg4[%add3A_316, %and3A_191] : memref<1024x32xf32, #tpu.memory_space<vmem>>[vector<16xi32>, vector<16xi32>], vector<16xf32>,
      %gather3A_339 = tpu.vector_load_idx %arg4[%add3A_316, %and3A_197] : memref<1024x32xf32, #tpu.memory_space<vmem>>[vector<16xi32>, vector<16xi32>], vector<16xf32>,
      %gather3A_340 = tpu.vector_load_idx %arg4[%add3A_316, %and3A_203] : memref<1024x32xf32, #tpu.memory_space<vmem>>[vector<16xi32>, vector<16xi32>], vector<16xf32>,
      %gather3A_341 = tpu.vector_load_idx %arg4[%add3A_316, %and3A_209] : memref<1024x32xf32, #tpu.memory_space<vmem>>[vector<16xi32>, vector<16xi32>], vector<16xf32>,
      %gather3A_342 = tpu.vector_load_idx %arg4[%add3A_316, %and3A_215] : memref<1024x32xf32, #tpu.memory_space<vmem>>[vector<16xi32>, vector<16xi32>], vector<16xf32>,
      %gather3A_343 = tpu.vector_load_idx %arg4[%add3A_316, %and3A_221] : memref<1024x32xf32, #tpu.memory_space<vmem>>[vector<16xi32>, vector<16xi32>], vector<16xf32>,
      %gather3A_344 = tpu.vector_load_idx %arg4[%add3A_316, %and3A_227] : memref<1024x32xf32, #tpu.memory_space<vmem>>[vector<16xi32>, vector<16xi32>], vector<16xf32>,
      %gather3A_345 = tpu.vector_load_idx %arg4[%add3A_316, %and3A_233] : memref<1024x32xf32, #tpu.memory_space<vmem>>[vector<16xi32>, vector<16xi32>], vector<16xf32>,
      %gather3A_346 = tpu.vector_load_idx %arg4[%add3A_316, %and3A_239] : memref<1024x32xf32, #tpu.memory_space<vmem>>[vector<16xi32>, vector<16xi32>], vector<16xf32>,
      %gather3A_347 = tpu.vector_load_idx %arg4[%add3A_316, %and3A_245] : memref<1024x32xf32, #tpu.memory_space<vmem>>[vector<16xi32>, vector<16xi32>], vector<16xf32>,
      %pack3A = tpu.pack_subelements %gather3A, %gather3A_317 {pack_format = #tpu.pack_format<interleaved>, positions = array<i32: 0, 1>} : vector<16xf32>, vector<16xf32> -> vector<32xbf16>
      %pack3A_348 = tpu.pack_subelements %gather3A_318, %gather3A_319 {pack_format = #tpu.pack_format<interleaved>, positions = array<i32: 0, 1>} : vector<16xf32>, vector<16xf32> -> vector<32xbf16>
      %pack3A_349 = tpu.pack_subelements %gather3A_320, %gather3A_321 {pack_format = #tpu.pack_format<interleaved>, positions = array<i32: 0, 1>} : vector<16xf32>, vector<16xf32> -> vector<32xbf16>
      %pack3A_350 = tpu.pack_subelements %gather3A_322, %gather3A_323 {pack_format = #tpu.pack_format<interleaved>, positions = array<i32: 0, 1>} : vector<16xf32>, vector<16xf32> -> vector<32xbf16>
      %pack3A_351 = tpu.pack_subelements %gather3A_324, %gather3A_325 {pack_format = #tpu.pack_format<interleaved>, positions = array<i32: 0, 1>} : vector<16xf32>, vector<16xf32> -> vector<32xbf16>
      %pack3A_352 = tpu.pack_subelements %gather3A_326, %gather3A_327 {pack_format = #tpu.pack_format<interleaved>, positions = array<i32: 0, 1>} : vector<16xf32>, vector<16xf32> -> vector<32xbf16>
      %pack3A_353 = tpu.pack_subelements %gather3A_328, %gather3A_329 {pack_format = #tpu.pack_format<interleaved>, positions = array<i32: 0, 1>} : vector<16xf32>, vector<16xf32> -> vector<32xbf16>
      %pack3A_354 = tpu.pack_subelements %gather3A_330, %gather3A_331 {pack_format = #tpu.pack_format<interleaved>, positions = array<i32: 0, 1>} : vector<16xf32>, vector<16xf32> -> vector<32xbf16>
      %pack3A_355 = tpu.pack_subelements %gather3A_332, %gather3A_333 {pack_format = #tpu.pack_format<interleaved>, positions = array<i32: 0, 1>} : vector<16xf32>, vector<16xf32> -> vector<32xbf16>
      %pack3A_356 = tpu.pack_subelements %gather3A_334, %gather3A_335 {pack_format = #tpu.pack_format<interleaved>, positions = array<i32: 0, 1>} : vector<16xf32>, vector<16xf32> -> vector<32xbf16>
      %pack3A_357 = tpu.pack_subelements %gather3A_336, %gather3A_337 {pack_format = #tpu.pack_format<interleaved>, positions = array<i32: 0, 1>} : vector<16xf32>, vector<16xf32> -> vector<32xbf16>
      %pack3A_358 = tpu.pack_subelements %gather3A_338, %gather3A_339 {pack_format = #tpu.pack_format<interleaved>, positions = array<i32: 0, 1>} : vector<16xf32>, vector<16xf32> -> vector<32xbf16>
      %pack3A_359 = tpu.pack_subelements %gather3A_340, %gather3A_341 {pack_format = #tpu.pack_format<interleaved>, positions = array<i32: 0, 1>} : vector<16xf32>, vector<16xf32> -> vector<32xbf16>
      %pack3A_360 = tpu.pack_subelements %gather3A_342, %gather3A_343 {pack_format = #tpu.pack_format<interleaved>, positions = array<i32: 0, 1>} : vector<16xf32>, vector<16xf32> -> vector<32xbf16>
      %pack3A_361 = tpu.pack_subelements %gather3A_344, %gather3A_345 {pack_format = #tpu.pack_format<interleaved>, positions = array<i32: 0, 1>} : vector<16xf32>, vector<16xf32> -> vector<32xbf16>
      %pack3A_362 = tpu.pack_subelements %gather3A_346, %gather3A_347 {pack_format = #tpu.pack_format<interleaved>, positions = array<i32: 0, 1>} : vector<16xf32>, vector<16xf32> -> vector<32xbf16>
      %max3A = arith.maximumf %pack3A, %pack3A_348 : vector<32xbf16>
      %min3A = arith.minimumf %pack3A, %pack3A_348 : vector<32xbf16>
      %max3A_363 = arith.maximumf %pack3A_349, %pack3A_350 : vector<32xbf16>
      %min3A_364 = arith.minimumf %pack3A_349, %pack3A_350 : vector<32xbf16>
      %max3A_365 = arith.maximumf %pack3A_351, %pack3A_352 : vector<32xbf16>
      %min3A_366 = arith.minimumf %pack3A_351, %pack3A_352 : vector<32xbf16>
      %max3A_367 = arith.maximumf %pack3A_353, %pack3A_354 : vector<32xbf16>
      %min3A_368 = arith.minimumf %pack3A_353, %pack3A_354 : vector<32xbf16>
      %max3A_369 = arith.maximumf %pack3A_355, %pack3A_356 : vector<32xbf16>
      %min3A_370 = arith.minimumf %pack3A_355, %pack3A_356 : vector<32xbf16>
      %max3A_371 = arith.maximumf %pack3A_357, %pack3A_358 : vector<32xbf16>
      %min3A_372 = arith.minimumf %pack3A_357, %pack3A_358 : vector<32xbf16>
      %max3A_373 = arith.maximumf %pack3A_359, %pack3A_360 : vector<32xbf16>
      %min3A_374 = arith.minimumf %pack3A_359, %pack3A_360 : vector<32xbf16>
      %max3A_375 = arith.maximumf %pack3A_361, %pack3A_362 : vector<32xbf16>
      %min3A_376 = arith.minimumf %pack3A_361, %pack3A_362 : vector<32xbf16>
      %max3A_377 = arith.maximumf %max3A, %max3A_363 : vector<32xbf16>
      %min3A_378 = arith.minimumf %max3A, %max3A_363 : vector<32xbf16>
      %max3A_379 = arith.maximumf %min3A, %min3A_364 : vector<32xbf16>
      %min3A_380 = arith.minimumf %min3A, %min3A_364 : vector<32xbf16>
      %max3A_381 = arith.maximumf %min3A_378, %max3A_379 : vector<32xbf16>
      %min3A_382 = arith.minimumf %min3A_378, %max3A_379 : vector<32xbf16>
      %max3A_383 = arith.maximumf %max3A_365, %max3A_367 : vector<32xbf16>
      %min3A_384 = arith.minimumf %max3A_365, %max3A_367 : vector<32xbf16>
      %max3A_385 = arith.maximumf %min3A_366, %min3A_368 : vector<32xbf16>
      %min3A_386 = arith.minimumf %min3A_366, %min3A_368 : vector<32xbf16>
      %max3A_387 = arith.maximumf %min3A_384, %max3A_385 : vector<32xbf16>
      %min3A_388 = arith.minimumf %min3A_384, %max3A_385 : vector<32xbf16>
      %max3A_389 = arith.maximumf %max3A_369, %max3A_371 : vector<32xbf16>
      %min3A_390 = arith.minimumf %max3A_369, %max3A_371 : vector<32xbf16>
      %max3A_391 = arith.maximumf %min3A_370, %min3A_372 : vector<32xbf16>
      %min3A_392 = arith.minimumf %min3A_370, %min3A_372 : vector<32xbf16>
      %max3A_393 = arith.maximumf %min3A_390, %max3A_391 : vector<32xbf16>
      %min3A_394 = arith.minimumf %min3A_390, %max3A_391 : vector<32xbf16>
      %max3A_395 = arith.maximumf %max3A_373, %max3A_375 : vector<32xbf16>
      %min3A_396 = arith.minimumf %max3A_373, %max3A_375 : vector<32xbf16>
      %max3A_397 = arith.maximumf %min3A_374, %min3A_376 : vector<32xbf16>
      %min3A_398 = arith.minimumf %min3A_374, %min3A_376 : vector<32xbf16>
      %max3A_399 = arith.maximumf %min3A_396, %max3A_397 : vector<32xbf16>
      %min3A_400 = arith.minimumf %min3A_396, %max3A_397 : vector<32xbf16>
      %max3A_401 = arith.maximumf %max3A_377, %min3A_386 : vector<32xbf16>
      %max3A_402 = arith.maximumf %max3A_381, %min3A_388 : vector<32xbf16>
      %max3A_403 = arith.maximumf %min3A_382, %max3A_387 : vector<32xbf16>
      %max3A_404 = arith.maximumf %min3A_380, %max3A_383 : vector<32xbf16>
      %max3A_405 = arith.maximumf %max3A_401, %max3A_403 : vector<32xbf16>
      %min3A_406 = arith.minimumf %max3A_401, %max3A_403 : vector<32xbf16>
      %max3A_407 = arith.maximumf %max3A_402, %max3A_404 : vector<32xbf16>
      %min3A_408 = arith.minimumf %max3A_402, %max3A_404 : vector<32xbf16>
      %max3A_409 = arith.maximumf %max3A_405, %max3A_407 : vector<32xbf16>
      %min3A_410 = arith.minimumf %max3A_405, %max3A_407 : vector<32xbf16>
      %max3A_411 = arith.maximumf %min3A_406, %min3A_408 : vector<32xbf16>
      %min3A_412 = arith.minimumf %min3A_406, %min3A_408 : vector<32xbf16>
      %max3A_413 = arith.maximumf %max3A_389, %min3A_398 : vector<32xbf16>
      %max3A_414 = arith.maximumf %max3A_393, %min3A_400 : vector<32xbf16>
      %max3A_415 = arith.maximumf %min3A_394, %max3A_399 : vector<32xbf16>
      %max3A_416 = arith.maximumf %min3A_392, %max3A_395 : vector<32xbf16>
      %max3A_417 = arith.maximumf %max3A_413, %max3A_415 : vector<32xbf16>
      %min3A_418 = arith.minimumf %max3A_413, %max3A_415 : vector<32xbf16>
      %max3A_419 = arith.maximumf %max3A_414, %max3A_416 : vector<32xbf16>
      %min3A_420 = arith.minimumf %max3A_414, %max3A_416 : vector<32xbf16>
      %max3A_421 = arith.maximumf %max3A_417, %max3A_419 : vector<32xbf16>
      %min3A_422 = arith.minimumf %max3A_417, %max3A_419 : vector<32xbf16>
      %max3A_423 = arith.maximumf %min3A_418, %min3A_420 : vector<32xbf16>
      %min3A_424 = arith.minimumf %min3A_418, %min3A_420 : vector<32xbf16>
      %max3A_425 = arith.maximumf %max3A_409, %min3A_424 : vector<32xbf16>
      %max3A_426 = arith.maximumf %min3A_410, %max3A_423 : vector<32xbf16>
      %max3A_427 = arith.maximumf %max3A_411, %min3A_422 : vector<32xbf16>
      %max3A_428 = arith.maximumf %min3A_412, %max3A_421 : vector<32xbf16>
      %max3A_429 = arith.maximumf %max3A_425, %max3A_427 : vector<32xbf16>
      %min3A_430 = arith.minimumf %max3A_425, %max3A_427 : vector<32xbf16>
      %max3A_431 = arith.maximumf %max3A_426, %max3A_428 : vector<32xbf16>
      %min3A_432 = arith.minimumf %max3A_426, %max3A_428 : vector<32xbf16>
      %max3A_433 = arith.maximumf %max3A_429, %max3A_431 : vector<32xbf16>
      %min3A_434 = arith.minimumf %max3A_429, %max3A_431 : vector<32xbf16>
      %max3A_435 = arith.maximumf %min3A_430, %min3A_432 : vector<32xbf16>
      %min3A_436 = arith.minimumf %min3A_430, %min3A_432 : vector<32xbf16>
      %unpack3A = tpu.unpack_subelements %max3A_433, 0 {pack_format = #tpu.pack_format<interleaved>} : vector<32xbf16> -> vector<16xf32>
      %unpack3A_437 = tpu.unpack_subelements %max3A_433, 1 {pack_format = #tpu.pack_format<interleaved>} : vector<32xbf16> -> vector<16xf32>
      %unpack3A_438 = tpu.unpack_subelements %min3A_434, 0 {pack_format = #tpu.pack_format<interleaved>} : vector<32xbf16> -> vector<16xf32>
      %unpack3A_439 = tpu.unpack_subelements %min3A_434, 1 {pack_format = #tpu.pack_format<interleaved>} : vector<32xbf16> -> vector<16xf32>
      %unpack3A_440 = tpu.unpack_subelements %max3A_435, 0 {pack_format = #tpu.pack_format<interleaved>} : vector<32xbf16> -> vector<16xf32>
      %unpack3A_441 = tpu.unpack_subelements %max3A_435, 1 {pack_format = #tpu.pack_format<interleaved>} : vector<32xbf16> -> vector<16xf32>
      %unpack3A_442 = tpu.unpack_subelements %min3A_436, 0 {pack_format = #tpu.pack_format<interleaved>} : vector<32xbf16> -> vector<16xf32>
      %unpack3A_443 = tpu.unpack_subelements %min3A_436, 1 {pack_format = #tpu.pack_format<interleaved>} : vector<32xbf16> -> vector<16xf32>
      %max3A_444 = arith.maximumf %unpack3A, %unpack3A_443 : vector<16xf32>
      %max3A_445 = arith.maximumf %unpack3A_438, %unpack3A_441 : vector<16xf32>
      %max3A_446 = arith.maximumf %unpack3A_440, %unpack3A_439 : vector<16xf32>
      %max3A_447 = arith.maximumf %unpack3A_442, %unpack3A_437 : vector<16xf32>
      %gt3A = arith.cmpf ogt, %max3A_444, %broadcast_in_dim3A_50 : vector<16xf32>
      %select_n3A = arith.select %gt3A, %broadcast_in_dim3A_52, %broadcast_in_dim3A_54 : vector<16xi1>, vector<16xf32>
      %add3A_448 = arith.addf %broadcast_in_dim3A_54, %select_n3A : vector<16xf32>
      %gt3A_449 = arith.cmpf ogt, %max3A_445, %broadcast_in_dim3A_50 : vector<16xf32>
      %select_n3A_450 = arith.select %gt3A_449, %broadcast_in_dim3A_52, %broadcast_in_dim3A_54 : vector<16xi1>, vector<16xf32>
      %add3A_451 = arith.addf %add3A_448, %select_n3A_450 : vector<16xf32>
      %gt3A_452 = arith.cmpf ogt, %max3A_446, %broadcast_in_dim3A_50 : vector<16xf32>
      %select_n3A_453 = arith.select %gt3A_452, %broadcast_in_dim3A_52, %broadcast_in_dim3A_54 : vector<16xi1>, vector<16xf32>
      %add3A_454 = arith.addf %add3A_451, %select_n3A_453 : vector<16xf32>
      %gt3A_455 = arith.cmpf ogt, %max3A_447, %broadcast_in_dim3A_50 : vector<16xf32>
      %select_n3A_456 = arith.select %gt3A_455, %broadcast_in_dim3A_52, %broadcast_in_dim3A_54 : vector<16xi1>, vector<16xf32>
      %add3A_457 = arith.addf %add3A_454, %select_n3A_456 : vector<16xf32>
      %add3A_458 = arith.addf %scan3A_312, %add3A_457 : vector<16xf32>
      scf.yield %add3A_458 : vector<16xf32>
    }
    %scan3A_291 = arith.constant 16 : i32
    %dma_wait3A_292 = arith.constant 768 : i32
    %dma_wait3A_293 = arith.constant 0 : i32
    %dma_wait3A_294 = tpu.memref_slice %arg4[%dma_wait3A_292, %dma_wait3A_293] : memref<1024x32xf32, #tpu.memory_space<vmem>> -> memref<256x32xf32, #tpu.memory_space<vmem>>
    %dma_wait3A_295 = arith.constant 0 : i32
    %dma_wait3A_296 = tpu.memref_slice %arg2[%add3A_39, %dma_wait3A_295] : memref<32768x32xf32, #tpu.memory_space<hbm>> -> memref<256x32xf32, #tpu.memory_space<hbm>>
    %dma_wait3A_297 = arith.constant 768 : i32
    %dma_wait3A_298 = arith.constant 0 : i32
    %dma_wait3A_299 = tpu.memref_slice %arg4[%dma_wait3A_297, %dma_wait3A_298] : memref<1024x32xf32, #tpu.memory_space<vmem>> -> memref<256x32xf32, #tpu.memory_space<vmem>>
    %dma_wait3A_300 = arith.constant 0 : i32
    %dma_wait3A_301 = tpu.memref_slice %arg2[%add3A_39, %dma_wait3A_300] : memref<32768x32xf32, #tpu.memory_space<hbm>> -> memref<256x32xf32, #tpu.memory_space<hbm>>
    tpu.wait_dma2 semaphore(%arg6 : memref<!tpu.dma_semaphore, #tpu.memory_space<semaphore_mem>>) src(%dma_wait3A_301 : memref<256x32xf32, #tpu.memory_space<hbm>>) dst(%dma_wait3A_299 : memref<256x32xf32, #tpu.memory_space<vmem>>)
    %scan3A_302 = arith.constant 48 : i32
    %scan3A_303 = arith.constant 16 : i32
    %scan3A_304 = arith.addi %scan3A_302, %scan3A_303 : i32
    %scan3A_305 = arith.constant 1 : i32
    %scan3A_306 = scf.for %scan3A_311 = %scan3A_302 to %scan3A_304 step %scan3A_305 iter_args(%scan3A_312 = %scan3A_290) -> (vector<16xf32>)  : i32 {
      %mul3A_313 = arith.constant 16 : i32
      %mul3A_314 = arith.muli %scan3A_311, %mul3A_313 : i32
      %add3A_315 = vector.broadcast %mul3A_314 : i32 to vector<16xi32>
      %add3A_316 = arith.addi %add3A_315, %iota3A : vector<16xi32>
      %gather3A = tpu.vector_load_idx %arg4[%add3A_316, %and3A_59] : memref<1024x32xf32, #tpu.memory_space<vmem>>[vector<16xi32>, vector<16xi32>], vector<16xf32>,
      %gather3A_317 = tpu.vector_load_idx %arg4[%add3A_316, %and3A_65] : memref<1024x32xf32, #tpu.memory_space<vmem>>[vector<16xi32>, vector<16xi32>], vector<16xf32>,
      %gather3A_318 = tpu.vector_load_idx %arg4[%add3A_316, %and3A_71] : memref<1024x32xf32, #tpu.memory_space<vmem>>[vector<16xi32>, vector<16xi32>], vector<16xf32>,
      %gather3A_319 = tpu.vector_load_idx %arg4[%add3A_316, %and3A_77] : memref<1024x32xf32, #tpu.memory_space<vmem>>[vector<16xi32>, vector<16xi32>], vector<16xf32>,
      %gather3A_320 = tpu.vector_load_idx %arg4[%add3A_316, %and3A_83] : memref<1024x32xf32, #tpu.memory_space<vmem>>[vector<16xi32>, vector<16xi32>], vector<16xf32>,
      %gather3A_321 = tpu.vector_load_idx %arg4[%add3A_316, %and3A_89] : memref<1024x32xf32, #tpu.memory_space<vmem>>[vector<16xi32>, vector<16xi32>], vector<16xf32>,
      %gather3A_322 = tpu.vector_load_idx %arg4[%add3A_316, %and3A_95] : memref<1024x32xf32, #tpu.memory_space<vmem>>[vector<16xi32>, vector<16xi32>], vector<16xf32>,
      %gather3A_323 = tpu.vector_load_idx %arg4[%add3A_316, %and3A_101] : memref<1024x32xf32, #tpu.memory_space<vmem>>[vector<16xi32>, vector<16xi32>], vector<16xf32>,
      %gather3A_324 = tpu.vector_load_idx %arg4[%add3A_316, %and3A_107] : memref<1024x32xf32, #tpu.memory_space<vmem>>[vector<16xi32>, vector<16xi32>], vector<16xf32>,
      %gather3A_325 = tpu.vector_load_idx %arg4[%add3A_316, %and3A_113] : memref<1024x32xf32, #tpu.memory_space<vmem>>[vector<16xi32>, vector<16xi32>], vector<16xf32>,
      %gather3A_326 = tpu.vector_load_idx %arg4[%add3A_316, %and3A_119] : memref<1024x32xf32, #tpu.memory_space<vmem>>[vector<16xi32>, vector<16xi32>], vector<16xf32>,
      %gather3A_327 = tpu.vector_load_idx %arg4[%add3A_316, %and3A_125] : memref<1024x32xf32, #tpu.memory_space<vmem>>[vector<16xi32>, vector<16xi32>], vector<16xf32>,
      %gather3A_328 = tpu.vector_load_idx %arg4[%add3A_316, %and3A_131] : memref<1024x32xf32, #tpu.memory_space<vmem>>[vector<16xi32>, vector<16xi32>], vector<16xf32>,
      %gather3A_329 = tpu.vector_load_idx %arg4[%add3A_316, %and3A_137] : memref<1024x32xf32, #tpu.memory_space<vmem>>[vector<16xi32>, vector<16xi32>], vector<16xf32>,
      %gather3A_330 = tpu.vector_load_idx %arg4[%add3A_316, %and3A_143] : memref<1024x32xf32, #tpu.memory_space<vmem>>[vector<16xi32>, vector<16xi32>], vector<16xf32>,
      %gather3A_331 = tpu.vector_load_idx %arg4[%add3A_316, %and3A_149] : memref<1024x32xf32, #tpu.memory_space<vmem>>[vector<16xi32>, vector<16xi32>], vector<16xf32>,
      %gather3A_332 = tpu.vector_load_idx %arg4[%add3A_316, %and3A_155] : memref<1024x32xf32, #tpu.memory_space<vmem>>[vector<16xi32>, vector<16xi32>], vector<16xf32>,
      %gather3A_333 = tpu.vector_load_idx %arg4[%add3A_316, %and3A_161] : memref<1024x32xf32, #tpu.memory_space<vmem>>[vector<16xi32>, vector<16xi32>], vector<16xf32>,
      %gather3A_334 = tpu.vector_load_idx %arg4[%add3A_316, %and3A_167] : memref<1024x32xf32, #tpu.memory_space<vmem>>[vector<16xi32>, vector<16xi32>], vector<16xf32>,
      %gather3A_335 = tpu.vector_load_idx %arg4[%add3A_316, %and3A_173] : memref<1024x32xf32, #tpu.memory_space<vmem>>[vector<16xi32>, vector<16xi32>], vector<16xf32>,
      %gather3A_336 = tpu.vector_load_idx %arg4[%add3A_316, %and3A_179] : memref<1024x32xf32, #tpu.memory_space<vmem>>[vector<16xi32>, vector<16xi32>], vector<16xf32>,
      %gather3A_337 = tpu.vector_load_idx %arg4[%add3A_316, %and3A_185] : memref<1024x32xf32, #tpu.memory_space<vmem>>[vector<16xi32>, vector<16xi32>], vector<16xf32>,
      %gather3A_338 = tpu.vector_load_idx %arg4[%add3A_316, %and3A_191] : memref<1024x32xf32, #tpu.memory_space<vmem>>[vector<16xi32>, vector<16xi32>], vector<16xf32>,
      %gather3A_339 = tpu.vector_load_idx %arg4[%add3A_316, %and3A_197] : memref<1024x32xf32, #tpu.memory_space<vmem>>[vector<16xi32>, vector<16xi32>], vector<16xf32>,
      %gather3A_340 = tpu.vector_load_idx %arg4[%add3A_316, %and3A_203] : memref<1024x32xf32, #tpu.memory_space<vmem>>[vector<16xi32>, vector<16xi32>], vector<16xf32>,
      %gather3A_341 = tpu.vector_load_idx %arg4[%add3A_316, %and3A_209] : memref<1024x32xf32, #tpu.memory_space<vmem>>[vector<16xi32>, vector<16xi32>], vector<16xf32>,
      %gather3A_342 = tpu.vector_load_idx %arg4[%add3A_316, %and3A_215] : memref<1024x32xf32, #tpu.memory_space<vmem>>[vector<16xi32>, vector<16xi32>], vector<16xf32>,
      %gather3A_343 = tpu.vector_load_idx %arg4[%add3A_316, %and3A_221] : memref<1024x32xf32, #tpu.memory_space<vmem>>[vector<16xi32>, vector<16xi32>], vector<16xf32>,
      %gather3A_344 = tpu.vector_load_idx %arg4[%add3A_316, %and3A_227] : memref<1024x32xf32, #tpu.memory_space<vmem>>[vector<16xi32>, vector<16xi32>], vector<16xf32>,
      %gather3A_345 = tpu.vector_load_idx %arg4[%add3A_316, %and3A_233] : memref<1024x32xf32, #tpu.memory_space<vmem>>[vector<16xi32>, vector<16xi32>], vector<16xf32>,
      %gather3A_346 = tpu.vector_load_idx %arg4[%add3A_316, %and3A_239] : memref<1024x32xf32, #tpu.memory_space<vmem>>[vector<16xi32>, vector<16xi32>], vector<16xf32>,
      %gather3A_347 = tpu.vector_load_idx %arg4[%add3A_316, %and3A_245] : memref<1024x32xf32, #tpu.memory_space<vmem>>[vector<16xi32>, vector<16xi32>], vector<16xf32>,
      %pack3A = tpu.pack_subelements %gather3A, %gather3A_317 {pack_format = #tpu.pack_format<interleaved>, positions = array<i32: 0, 1>} : vector<16xf32>, vector<16xf32> -> vector<32xbf16>
      %pack3A_348 = tpu.pack_subelements %gather3A_318, %gather3A_319 {pack_format = #tpu.pack_format<interleaved>, positions = array<i32: 0, 1>} : vector<16xf32>, vector<16xf32> -> vector<32xbf16>
      %pack3A_349 = tpu.pack_subelements %gather3A_320, %gather3A_321 {pack_format = #tpu.pack_format<interleaved>, positions = array<i32: 0, 1>} : vector<16xf32>, vector<16xf32> -> vector<32xbf16>
      %pack3A_350 = tpu.pack_subelements %gather3A_322, %gather3A_323 {pack_format = #tpu.pack_format<interleaved>, positions = array<i32: 0, 1>} : vector<16xf32>, vector<16xf32> -> vector<32xbf16>
      %pack3A_351 = tpu.pack_subelements %gather3A_324, %gather3A_325 {pack_format = #tpu.pack_format<interleaved>, positions = array<i32: 0, 1>} : vector<16xf32>, vector<16xf32> -> vector<32xbf16>
      %pack3A_352 = tpu.pack_subelements %gather3A_326, %gather3A_327 {pack_format = #tpu.pack_format<interleaved>, positions = array<i32: 0, 1>} : vector<16xf32>, vector<16xf32> -> vector<32xbf16>
      %pack3A_353 = tpu.pack_subelements %gather3A_328, %gather3A_329 {pack_format = #tpu.pack_format<interleaved>, positions = array<i32: 0, 1>} : vector<16xf32>, vector<16xf32> -> vector<32xbf16>
      %pack3A_354 = tpu.pack_subelements %gather3A_330, %gather3A_331 {pack_format = #tpu.pack_format<interleaved>, positions = array<i32: 0, 1>} : vector<16xf32>, vector<16xf32> -> vector<32xbf16>
      %pack3A_355 = tpu.pack_subelements %gather3A_332, %gather3A_333 {pack_format = #tpu.pack_format<interleaved>, positions = array<i32: 0, 1>} : vector<16xf32>, vector<16xf32> -> vector<32xbf16>
      %pack3A_356 = tpu.pack_subelements %gather3A_334, %gather3A_335 {pack_format = #tpu.pack_format<interleaved>, positions = array<i32: 0, 1>} : vector<16xf32>, vector<16xf32> -> vector<32xbf16>
      %pack3A_357 = tpu.pack_subelements %gather3A_336, %gather3A_337 {pack_format = #tpu.pack_format<interleaved>, positions = array<i32: 0, 1>} : vector<16xf32>, vector<16xf32> -> vector<32xbf16>
      %pack3A_358 = tpu.pack_subelements %gather3A_338, %gather3A_339 {pack_format = #tpu.pack_format<interleaved>, positions = array<i32: 0, 1>} : vector<16xf32>, vector<16xf32> -> vector<32xbf16>
      %pack3A_359 = tpu.pack_subelements %gather3A_340, %gather3A_341 {pack_format = #tpu.pack_format<interleaved>, positions = array<i32: 0, 1>} : vector<16xf32>, vector<16xf32> -> vector<32xbf16>
      %pack3A_360 = tpu.pack_subelements %gather3A_342, %gather3A_343 {pack_format = #tpu.pack_format<interleaved>, positions = array<i32: 0, 1>} : vector<16xf32>, vector<16xf32> -> vector<32xbf16>
      %pack3A_361 = tpu.pack_subelements %gather3A_344, %gather3A_345 {pack_format = #tpu.pack_format<interleaved>, positions = array<i32: 0, 1>} : vector<16xf32>, vector<16xf32> -> vector<32xbf16>
      %pack3A_362 = tpu.pack_subelements %gather3A_346, %gather3A_347 {pack_format = #tpu.pack_format<interleaved>, positions = array<i32: 0, 1>} : vector<16xf32>, vector<16xf32> -> vector<32xbf16>
      %max3A = arith.maximumf %pack3A, %pack3A_348 : vector<32xbf16>
      %min3A = arith.minimumf %pack3A, %pack3A_348 : vector<32xbf16>
      %max3A_363 = arith.maximumf %pack3A_349, %pack3A_350 : vector<32xbf16>
      %min3A_364 = arith.minimumf %pack3A_349, %pack3A_350 : vector<32xbf16>
      %max3A_365 = arith.maximumf %pack3A_351, %pack3A_352 : vector<32xbf16>
      %min3A_366 = arith.minimumf %pack3A_351, %pack3A_352 : vector<32xbf16>
      %max3A_367 = arith.maximumf %pack3A_353, %pack3A_354 : vector<32xbf16>
      %min3A_368 = arith.minimumf %pack3A_353, %pack3A_354 : vector<32xbf16>
      %max3A_369 = arith.maximumf %pack3A_355, %pack3A_356 : vector<32xbf16>
      %min3A_370 = arith.minimumf %pack3A_355, %pack3A_356 : vector<32xbf16>
      %max3A_371 = arith.maximumf %pack3A_357, %pack3A_358 : vector<32xbf16>
      %min3A_372 = arith.minimumf %pack3A_357, %pack3A_358 : vector<32xbf16>
      %max3A_373 = arith.maximumf %pack3A_359, %pack3A_360 : vector<32xbf16>
      %min3A_374 = arith.minimumf %pack3A_359, %pack3A_360 : vector<32xbf16>
      %max3A_375 = arith.maximumf %pack3A_361, %pack3A_362 : vector<32xbf16>
      %min3A_376 = arith.minimumf %pack3A_361, %pack3A_362 : vector<32xbf16>
      %max3A_377 = arith.maximumf %max3A, %max3A_363 : vector<32xbf16>
      %min3A_378 = arith.minimumf %max3A, %max3A_363 : vector<32xbf16>
      %max3A_379 = arith.maximumf %min3A, %min3A_364 : vector<32xbf16>
      %min3A_380 = arith.minimumf %min3A, %min3A_364 : vector<32xbf16>
      %max3A_381 = arith.maximumf %min3A_378, %max3A_379 : vector<32xbf16>
      %min3A_382 = arith.minimumf %min3A_378, %max3A_379 : vector<32xbf16>
      %max3A_383 = arith.maximumf %max3A_365, %max3A_367 : vector<32xbf16>
      %min3A_384 = arith.minimumf %max3A_365, %max3A_367 : vector<32xbf16>
      %max3A_385 = arith.maximumf %min3A_366, %min3A_368 : vector<32xbf16>
      %min3A_386 = arith.minimumf %min3A_366, %min3A_368 : vector<32xbf16>
      %max3A_387 = arith.maximumf %min3A_384, %max3A_385 : vector<32xbf16>
      %min3A_388 = arith.minimumf %min3A_384, %max3A_385 : vector<32xbf16>
      %max3A_389 = arith.maximumf %max3A_369, %max3A_371 : vector<32xbf16>
      %min3A_390 = arith.minimumf %max3A_369, %max3A_371 : vector<32xbf16>
      %max3A_391 = arith.maximumf %min3A_370, %min3A_372 : vector<32xbf16>
      %min3A_392 = arith.minimumf %min3A_370, %min3A_372 : vector<32xbf16>
      %max3A_393 = arith.maximumf %min3A_390, %max3A_391 : vector<32xbf16>
      %min3A_394 = arith.minimumf %min3A_390, %max3A_391 : vector<32xbf16>
      %max3A_395 = arith.maximumf %max3A_373, %max3A_375 : vector<32xbf16>
      %min3A_396 = arith.minimumf %max3A_373, %max3A_375 : vector<32xbf16>
      %max3A_397 = arith.maximumf %min3A_374, %min3A_376 : vector<32xbf16>
      %min3A_398 = arith.minimumf %min3A_374, %min3A_376 : vector<32xbf16>
      %max3A_399 = arith.maximumf %min3A_396, %max3A_397 : vector<32xbf16>
      %min3A_400 = arith.minimumf %min3A_396, %max3A_397 : vector<32xbf16>
      %max3A_401 = arith.maximumf %max3A_377, %min3A_386 : vector<32xbf16>
      %max3A_402 = arith.maximumf %max3A_381, %min3A_388 : vector<32xbf16>
      %max3A_403 = arith.maximumf %min3A_382, %max3A_387 : vector<32xbf16>
      %max3A_404 = arith.maximumf %min3A_380, %max3A_383 : vector<32xbf16>
      %max3A_405 = arith.maximumf %max3A_401, %max3A_403 : vector<32xbf16>
      %min3A_406 = arith.minimumf %max3A_401, %max3A_403 : vector<32xbf16>
      %max3A_407 = arith.maximumf %max3A_402, %max3A_404 : vector<32xbf16>
      %min3A_408 = arith.minimumf %max3A_402, %max3A_404 : vector<32xbf16>
      %max3A_409 = arith.maximumf %max3A_405, %max3A_407 : vector<32xbf16>
      %min3A_410 = arith.minimumf %max3A_405, %max3A_407 : vector<32xbf16>
      %max3A_411 = arith.maximumf %min3A_406, %min3A_408 : vector<32xbf16>
      %min3A_412 = arith.minimumf %min3A_406, %min3A_408 : vector<32xbf16>
      %max3A_413 = arith.maximumf %max3A_389, %min3A_398 : vector<32xbf16>
      %max3A_414 = arith.maximumf %max3A_393, %min3A_400 : vector<32xbf16>
      %max3A_415 = arith.maximumf %min3A_394, %max3A_399 : vector<32xbf16>
      %max3A_416 = arith.maximumf %min3A_392, %max3A_395 : vector<32xbf16>
      %max3A_417 = arith.maximumf %max3A_413, %max3A_415 : vector<32xbf16>
      %min3A_418 = arith.minimumf %max3A_413, %max3A_415 : vector<32xbf16>
      %max3A_419 = arith.maximumf %max3A_414, %max3A_416 : vector<32xbf16>
      %min3A_420 = arith.minimumf %max3A_414, %max3A_416 : vector<32xbf16>
      %max3A_421 = arith.maximumf %max3A_417, %max3A_419 : vector<32xbf16>
      %min3A_422 = arith.minimumf %max3A_417, %max3A_419 : vector<32xbf16>
      %max3A_423 = arith.maximumf %min3A_418, %min3A_420 : vector<32xbf16>
      %min3A_424 = arith.minimumf %min3A_418, %min3A_420 : vector<32xbf16>
      %max3A_425 = arith.maximumf %max3A_409, %min3A_424 : vector<32xbf16>
      %max3A_426 = arith.maximumf %min3A_410, %max3A_423 : vector<32xbf16>
      %max3A_427 = arith.maximumf %max3A_411, %min3A_422 : vector<32xbf16>
      %max3A_428 = arith.maximumf %min3A_412, %max3A_421 : vector<32xbf16>
      %max3A_429 = arith.maximumf %max3A_425, %max3A_427 : vector<32xbf16>
      %min3A_430 = arith.minimumf %max3A_425, %max3A_427 : vector<32xbf16>
      %max3A_431 = arith.maximumf %max3A_426, %max3A_428 : vector<32xbf16>
      %min3A_432 = arith.minimumf %max3A_426, %max3A_428 : vector<32xbf16>
      %max3A_433 = arith.maximumf %max3A_429, %max3A_431 : vector<32xbf16>
      %min3A_434 = arith.minimumf %max3A_429, %max3A_431 : vector<32xbf16>
      %max3A_435 = arith.maximumf %min3A_430, %min3A_432 : vector<32xbf16>
      %min3A_436 = arith.minimumf %min3A_430, %min3A_432 : vector<32xbf16>
      %unpack3A = tpu.unpack_subelements %max3A_433, 0 {pack_format = #tpu.pack_format<interleaved>} : vector<32xbf16> -> vector<16xf32>
      %unpack3A_437 = tpu.unpack_subelements %max3A_433, 1 {pack_format = #tpu.pack_format<interleaved>} : vector<32xbf16> -> vector<16xf32>
      %unpack3A_438 = tpu.unpack_subelements %min3A_434, 0 {pack_format = #tpu.pack_format<interleaved>} : vector<32xbf16> -> vector<16xf32>
      %unpack3A_439 = tpu.unpack_subelements %min3A_434, 1 {pack_format = #tpu.pack_format<interleaved>} : vector<32xbf16> -> vector<16xf32>
      %unpack3A_440 = tpu.unpack_subelements %max3A_435, 0 {pack_format = #tpu.pack_format<interleaved>} : vector<32xbf16> -> vector<16xf32>
      %unpack3A_441 = tpu.unpack_subelements %max3A_435, 1 {pack_format = #tpu.pack_format<interleaved>} : vector<32xbf16> -> vector<16xf32>
      %unpack3A_442 = tpu.unpack_subelements %min3A_436, 0 {pack_format = #tpu.pack_format<interleaved>} : vector<32xbf16> -> vector<16xf32>
      %unpack3A_443 = tpu.unpack_subelements %min3A_436, 1 {pack_format = #tpu.pack_format<interleaved>} : vector<32xbf16> -> vector<16xf32>
      %max3A_444 = arith.maximumf %unpack3A, %unpack3A_443 : vector<16xf32>
      %max3A_445 = arith.maximumf %unpack3A_438, %unpack3A_441 : vector<16xf32>
      %max3A_446 = arith.maximumf %unpack3A_440, %unpack3A_439 : vector<16xf32>
      %max3A_447 = arith.maximumf %unpack3A_442, %unpack3A_437 : vector<16xf32>
      %gt3A = arith.cmpf ogt, %max3A_444, %broadcast_in_dim3A_50 : vector<16xf32>
      %select_n3A = arith.select %gt3A, %broadcast_in_dim3A_52, %broadcast_in_dim3A_54 : vector<16xi1>, vector<16xf32>
      %add3A_448 = arith.addf %broadcast_in_dim3A_54, %select_n3A : vector<16xf32>
      %gt3A_449 = arith.cmpf ogt, %max3A_445, %broadcast_in_dim3A_50 : vector<16xf32>
      %select_n3A_450 = arith.select %gt3A_449, %broadcast_in_dim3A_52, %broadcast_in_dim3A_54 : vector<16xi1>, vector<16xf32>
      %add3A_451 = arith.addf %add3A_448, %select_n3A_450 : vector<16xf32>
      %gt3A_452 = arith.cmpf ogt, %max3A_446, %broadcast_in_dim3A_50 : vector<16xf32>
      %select_n3A_453 = arith.select %gt3A_452, %broadcast_in_dim3A_52, %broadcast_in_dim3A_54 : vector<16xi1>, vector<16xf32>
      %add3A_454 = arith.addf %add3A_451, %select_n3A_453 : vector<16xf32>
      %gt3A_455 = arith.cmpf ogt, %max3A_447, %broadcast_in_dim3A_50 : vector<16xf32>
      %select_n3A_456 = arith.select %gt3A_455, %broadcast_in_dim3A_52, %broadcast_in_dim3A_54 : vector<16xi1>, vector<16xf32>
      %add3A_457 = arith.addf %add3A_454, %select_n3A_456 : vector<16xf32>
      %add3A_458 = arith.addf %scan3A_312, %add3A_457 : vector<16xf32>
      scf.yield %add3A_458 : vector<16xf32>
    }
    %scan3A_307 = arith.constant 16 : i32
    %swap3A = arith.constant 0 : index
    %swap3A_308 = tpu.vector_load %arg5[%swap3A] {strides = array<i32>} : memref<16xf32, #tpu.memory_space<vmem>>, vector<16xf32>,
    tpu.vector_store %arg5[%swap3A], %scan3A_306 {strides = array<i32>} : memref<16xf32, #tpu.memory_space<vmem>>, vector<16xf32>,
    %mul3A_309 = arith.constant 16 : i32
    %mul3A_310 = arith.muli %add3A, %mul3A_309 : i32
    "tpu.region"() ({
      %run_scoped3A = tpu.sem_alloc : memref<!tpu.dma_semaphore, #tpu.memory_space<semaphore_mem>>
      %dma_start3A_311 = tpu.memref_slice %arg3[%mul3A_310] : memref<512xf32, #tpu.memory_space<hbm>> -> memref<16xf32, #tpu.memory_space<hbm>>
      %dma_start3A_312 = tpu.memref_slice %arg3[%mul3A_310] : memref<512xf32, #tpu.memory_space<hbm>> -> memref<16xf32, #tpu.memory_space<hbm>>
      tpu.enqueue_dma source(%arg5 : memref<16xf32, #tpu.memory_space<vmem>>) target(%dma_start3A_312 : memref<16xf32, #tpu.memory_space<hbm>>) target_semaphore(%run_scoped3A : memref<!tpu.dma_semaphore, #tpu.memory_space<semaphore_mem>>)
      %dma_wait3A_313 = tpu.memref_slice %arg3[%mul3A_310] : memref<512xf32, #tpu.memory_space<hbm>> -> memref<16xf32, #tpu.memory_space<hbm>>
      %dma_wait3A_314 = tpu.memref_slice %arg3[%mul3A_310] : memref<512xf32, #tpu.memory_space<hbm>> -> memref<16xf32, #tpu.memory_space<hbm>>
      tpu.wait_dma2 semaphore(%run_scoped3A : memref<!tpu.dma_semaphore, #tpu.memory_space<semaphore_mem>>) src(%arg5 : memref<16xf32, #tpu.memory_space<vmem>>) dst(%dma_wait3A_314 : memref<16xf32, #tpu.memory_space<hbm>>)
      tpu.yield
    }) : () -> ()
    return
  }
}

</mosaic_0001>

<sc_bundles>
// kernel: kernel.3.cloned.1.call-start
scs
__scs_entry_jumppad:
0x0: {  	(pc) =	sbr.rel $0x88, $3  }
0x1: {  	(tag) =	ssettag $0x0;
	lr =	simm.s32 $0x1  }
0x2: {  	[smem:$0x3FA0] =	sst lr;
	_ =	strace $0xD0000000  }
0x3: {  	_ = 	snop  }
0x4: {  	_ = 	snop  }
0x5: {  	_ = 	snop  }
0x6: {  	_ = 	snop  }
0x7: {  	_ = 	snop  }
__scs_overlays_trampoline_lowered:
0x8: {  	[smem:$0x3FAF] =	sst s0  }
0x9: {  	[smem:$0x3FB0] =	sst s1  }
0xa: {  	[smem:$0x3FB1] =	sst s2  }
0xb: {  	[smem:$0x3FB2] =	sst s3  }
0xc: {  	[smem:$0x3FB3] =	sst s4  }
0xd: {  	[smem:$0x3FB4] =	sst s5  }
0xe: {  	[smem:$0x3FB5] =	sst s6  }
0xf: {  	[smem:$0x3FB6] =	sst s7  }
0x10: {  	[smem:$0x3FB7] =	sst s8  }
0x11: {  	[smem:$0x3FB8] =	sst s9;
	s0 =	simm.s32 @!p0 $0x0  }
0x12: {  	s1 =	sld [smem:$0x3F9E];
	s0 =	simm.s32 @p0 $0x1  }
0x13: {  	[smem:$0x3FB9] =	sst s0;
	s0 =	simm.s32 @!p1 $0x0  }
0x14: {  	s2 =	sld [smem:$0x3F9D];
	s0 =	simm.s32 @p1 $0x1  }
0x15: {  	[smem:$0x3FBA] =	sst s0;
	s0 =	simm.s32 @!p2 $0x0  }
0x16: {  	s3 =	sld [smem:$0x3FDB];
	s0 =	simm.s32 @p2 $0x1  }
0x17: {  	s4 =	simm.s32 $0x1BF5;
	[smem:$0x3FBC] =	sst s0  }
0x18: {  	s0 =	sld [smem:$0x3F9F];
	_ =	swait.ge [sflag:s4], $0x0  }
0x19: {  	s7 =	sld [smem:$0x3FA0]  }
0x1a: {  	s8 =	sadd.s32 $0xFFFFE003, lr  }
0x1b: {  	s9 =	sadd.s32 $0xFFFFFEF7, lr;
	s5 =	simm.s32 $0xFFFFFFFF;
	p2 =	slt.u32 s8, $0xFFFFF086  }
0x1c: {  	p1 =	slt.u32 s9, $0xF7A;
	s5 =	simm.s32 @!p2 $0x0  }
0x1d: {  	s5 =	simm.s32 @p1 $0x1;
	p0 =	seq.s32 s7, s2  }
0x1e: {  	s7 =	smul.u32 @!p0 $0xF7A, s2;
	p2 =	seq.s32 @!p0 s5, $0x0  }
0x1f: {  	s9 =	smul.u32 $0xF7A, s1;
	s8 =	simm.s32 @!p0 $0x1BF5;
	p2 =	por !p2, p0  }
0x20: {  	[sflag:s8] =	ssyncset.s32 @!p0 $0xFFFFF086;
	s6 =	sadd.s32 @!p0 s3, s7;
	s7 =	simm.s32 @!p0 $0x108  }
0x21: {  	s3 =	sadd.s32 s3, s9;
	s6 =	sadd.s32 @!p0 $0x88, s6;
	s7 =	simm.s32 @p2 $0x1082  }
0x22: {  	[simem:s7], [sflag:s8] =	dma.local @!p0 [hbm:s6], $0xF7A  }
0x23: {  	s9 =	sor.u32 $0xD0000000, s2;
	s6 =	simm.s32 $0x108;
	_ =	swait.ge @!p0 [sflag:s8], $0x0  }
0x24: {  	s3 =	sadd.s32 $0x88, s3;
	s6 =	simm.s32 @!p1 $0x1082;
	[sflag:s4] =	ssyncset.s32 $0xFFFFF086  }
0x25: {  	[simem:s6], [sflag:s4] =	dma.local [hbm:s3], $0xF7A  }
0x26: {  	[smem:$0x3FA0] =	sst s1;
	(tag) =	ssettag s2;
	_ =	strace s9  }
0x27: {  	s1 =	sld [smem:$0x3FB0]  }
0x28: {  	s2 =	sld [smem:$0x3FB1]  }
0x29: {  	s4 =	sld [smem:$0x3FB3]  }
0x2a: {  	p0 =	seq.s32 s5, $0x0;
	s5 =	sld [smem:$0x3FB4]  }
0x2b: {  	s6 =	sld [smem:$0x3FB5]  }
0x2c: {  	s7 =	sld [smem:$0x3FB6]  }
0x2d: {  	s3 =	simm.s32 $0x108;
	s8 =	sld [smem:$0x3FB7]  }
0x2e: {  	s3 =	simm.s32 @!p0 $0x1082;
	s9 =	sld [smem:$0x3FB8]  }
0x2f: {  	lr =	sadd.s32 s0, s3;
	s0 =	sld [smem:$0x3FAF]  }
0x30: {  	s3 =	sld [smem:$0x3FB2]  }
0x31: {  	[smem:$0x3FBB] =	sst s10  }
0x32: {  	s10 =	sld [smem:$0x3FB9];
	_ =	sdelay $0x3  }
0x33: {  	p0 =	seq.s32 s10, $0x1;
	s10 =	sld [smem:$0x3FBB];
	_ =	sdelay $0x3  }
0x34: {  	[smem:$0x3FBB] =	sst s10  }
0x35: {  	s10 =	sld [smem:$0x3FBA];
	_ =	sdelay $0x3  }
0x36: {  	p1 =	seq.s32 s10, $0x1;
	s10 =	sld [smem:$0x3FBB];
	_ =	sdelay $0x3  }
0x37: {  	[smem:$0x3FBB] =	sst s10  }
0x38: {  	s10 =	sld [smem:$0x3FBC]  }
0x39: {  	_ = 	snop;
	(pc) =	sbr.ind lr, $3  }
0x3a: {  	_ = 	snop  }
0x3b: {  	_ = 	snop  }
0x3c: {  	p2 =	seq.s32 s10, $0x1;
	s10 =	sld [smem:$0x3FBB]  }
0x3d: {  	_ =	shalt  }
0x3e: {  	_ =	shalt  }
0x3f: {  	_ =	shalt  }
0x40: {  	_ =	shalt  }
0x41: {  	_ =	shalt  }
0x42: {  	_ =	shalt  }
0x43: {  	_ =	shalt  }
0x44: {  	_ =	shalt  }
0x45: {  	_ =	shalt  }
0x46: {  	_ =	shalt  }
0x47: {  	_ =	shalt  }
0x48: {  	_ =	shalt  }
0x49: {  	_ =	shalt  }
0x4a: {  	_ =	shalt  }
0x4b: {  	_ =	shalt  }
0x4c: {  	_ =	shalt  }
0x4d: {  	_ =	shalt  }
0x4e: {  	_ =	shalt  }
0x4f: {  	_ =	shalt  }
0x50: {  	_ =	shalt  }
0x51: {  	_ =	shalt  }
0x52: {  	_ =	shalt  }
0x53: {  	_ =	shalt  }
0x54: {  	_ =	shalt  }
0x55: {  	_ =	shalt  }
0x56: {  	_ =	shalt  }
0x57: {  	_ =	shalt  }
0x58: {  	_ =	shalt  }
0x59: {  	_ =	shalt  }
0x5a: {  	_ =	shalt  }
0x5b: {  	_ =	shalt  }
0x5c: {  	_ =	shalt  }
0x5d: {  	_ =	shalt  }
0x5e: {  	_ =	shalt  }
0x5f: {  	_ =	shalt  }
0x60: {  	_ =	shalt  }
0x61: {  	_ =	shalt  }
0x62: {  	_ =	shalt  }
0x63: {  	_ =	shalt  }
0x64: {  	_ =	shalt  }
0x65: {  	_ =	shalt  }
0x66: {  	_ =	shalt  }
0x67: {  	_ =	shalt  }
0x68: {  	_ =	shalt  }
0x69: {  	_ =	shalt  }
0x6a: {  	_ =	shalt  }
0x6b: {  	_ =	shalt  }
0x6c: {  	_ =	shalt  }
0x6d: {  	_ =	shalt  }
0x6e: {  	_ =	shalt  }
0x6f: {  	_ =	shalt  }
0x70: {  	_ =	shalt  }
0x71: {  	_ =	shalt  }
0x72: {  	_ =	shalt  }
0x73: {  	_ =	shalt  }
0x74: {  	_ =	shalt  }
0x75: {  	_ =	shalt  }
0x76: {  	_ =	shalt  }
0x77: {  	_ =	shalt  }
0x78: {  	_ =	shalt  }
0x79: {  	_ =	shalt  }
0x7a: {  	_ =	shalt  }
0x7b: {  	_ =	shalt  }
0x7c: {  	_ =	shalt  }
0x7d: {  	_ =	shalt  }
0x7e: {  	_ =	shalt  }
0x7f: {  	_ =	shalt  }
0x80: {  	_ =	shalt  }
0x81: {  	_ =	shalt  }
0x82: {  	_ =	shalt  }
0x83: {  	_ =	shalt  }
0x84: {  	_ =	shalt  }
0x85: {  	_ =	shalt  }
0x86: {  	_ =	shalt  }
0x87: {  	_ =	shalt  }
.Lfunc_end0:
.L_simem_size_0:
called_computation_lowered:
.L_overlay_start_0:
0x88: {  	s2 =	sld [smem:$0x3FD9]  }
0x89: {  	s3 =	sld [smem:$0x3FFE];
	_ =	sdelay $0x1  }
0x8a: {  	s1 =	srdreg.scid  }
0x8b: {  	s0 =	sand.u32 $0x1, s1  }
0x8c: {  	s16 =	sshll.u32 s0, $0xA;
	s2 =	sadd.s32 s3, s2  }
0x8d: {  	s2 =	sadd.s32 s2, s16  }
0x8e: {  	[smem:$0x3FC7] =	sst s2  }
0x8f: {  	_ = 	snop  }
0x90: {  	(tm) =	ssettm $0x1  }
0x91: {  	s17 =	sld [smem:$0x3FFB];
	_ =	sdelay $0x3  }
0x92: {  	_ =	strace s17  }
0x93: {  	s2 =	sld [smem:$0x3FFC];
	_ =	sdelay $0x3  }
0x94: {  	_ =	strace s2  }
0x95: {  	s2 =	sld [smem:$0x3FFD];
	_ =	sdelay $0x3  }
0x96: {  	_ =	strace s2  }
0x97: {  	_ =	strace $0x8FFFFFFF  }
0x98: {  	s18 =	sld [smem:$0x3FDB];
	_ =	sdelay $0x1  }
0x99: {  	s19 =	simm.s32 $_scs_section_size  }
0x9a: {  	s4 =	simm.s32 $_size__tile_overlayer_lowered;
	s5 =	simm.s32 $_tile_overlayer_lowered  }
0x9b: {  	s22 =	simm.s32 $0x1BFF;
	s21 =	sshll.u32 s5, $0x1;
	s2 =	sadd.s32 s19, s18  }
0x9c: {  	s6 =	simm.s32 $0x0;
	s20 =	sshll.u32 s4, $0x1;
	s4 =	sadd.s32 s21, s2  }
0x9d: {  	[timem:s6], [sflag:s22] =	dma.local [hbm:s4], s20  }
0x9e: {  	_ =	swait.ge [sflag:s22], s20  }
0x9f: {  	s3 =	ssub.s32 $0x0, s20;
	[sflag:s22] =	ssyncset.done $0x0  }
0xa0: {  	[sflag:s22] =	ssyncadd.s32 s3;
	_ =	sdelay $0x1  }
0xa1: {  	s23 =	simm.s32 $0x1B8B  }
0xa2: {  	_ =	swait.ge [sflag:s23], $0x1  }
0xa3: {  	[sflag:s23] =	ssyncset.done $0x0  }
0xa4: {  	s25 =	simm.s32 $0x1B8E;
	s24 =	sld [smem:$0x3FFE];
	[sflag:s23] =	ssyncadd.s32 $0xFFFFFFFF  }
0xa5: {  	s26 =	simm.s32 $execute0_lowered;
	[smem:$0x3FD2] =	sst s25  }
0xa6: {  	s4 =	sshll.u32 s26, $0x1;
	_ =	strace $0x80000046;
	[dreg:$0x1] =	wrdreg $0xFFFFFFFF  }
0xa7: {  	s28 =	simm.s32 $_size_execute0_lowered;
	s2 =	sadd.s32 s2, s4;
	[dreg:$0x0] =	wrdreg $0x0  }
0xa8: {  	s4 =	sshll.u32 s28, $0x1;
	[dreg:$0x2] =	wrdreg s2  }
0xa9: {  	[dreg:$0x3] =	wrdreg s4  }
0xaa: {  	[dreg:$0x4] =	wrdreg $0xC0  }
0xab: {  	_ =	task [dreg:s6], $0x5FFFF  }
0xac: {  	[dreg:$0x1] =	wrdreg $0xFFFFFFFF  }
0xad: {  	[dreg:$0x0] =	wrdreg $0x60  }
0xae: {  	[dreg:$0x2] =	wrdreg s24  }
0xaf: {  	[dreg:$0x3] =	wrdreg $0x9  }
0xb0: {  	_ =	task.clear_ibuf [dreg:s6], $0x4FFFF;
	_ =	strace $0x90000046  }
0xb1: {  	s29 =	simm.s32 $0x9;
	_ =	strace $0x80000048  }
0xb2: {  	_ =	swait.ge [sflag:s29], $0x1  }
0xb3: {  	[sflag:s29] =	ssyncadd.s32 $0xFFFFFFFF  }
0xb4: {  	_ =	strace $0x90000048  }
0xb5: {  	_ =	sfence  }
0xb6: {  	s30 =	sld [smem:$0x0];
	_ =	sdelay $0x2  }
0xb7: {  	s31 =	sshll.u32 s1, $0xD;
	s1 =	sshrl.u32 s1, $0x2  }
0xb8: {  	s3 =	sand.u32 $0x4000, s31;
	s1 =	sadd.s32 s1, s30  }
0xb9: {  	s0 =	sor.u32 s3, s0;
	s1 =	sshll.u32 s1, $0x11  }
0xba: {  	s0 =	sor.u32 s1, s0  }
0xbb: {  	s0 =	sadd.s32 $0x8F2B, s0  }
0xbc: {  	[sflag:s0] =	ssyncadd.remote.s32 $0x1  }
0xbd: {  	_ =	sfence.sel $0xFFFF  }
0xbe: {  	[dreg:$0x0] =	wrdreg $0xFFFFFFFF;
	(pc) =	sbr.abs _section_cstart, $3  }
0xbf: {  	[dreg:$0x1] =	wrdreg $0xFFFFFFFF  }
0xc0: {  	_ =	task.clear_ibuf [dreg:s6], $0x2FFFF;
	_ =	strace $0x9FFFFFFF  }
0xc1: {  	(tm) =	ssettm $0x7FFFFFFF  }
tec
execute0_lowered:
.L_overlay_start_1:
0x0: {  	(tag) =	ssettag $0x1  }
0x1: {  	v0 =	vlaneseq.u32  }
0x2: {  	v16 =	vimm.s32 $0x14131211;
	v18 =	vimm.s32 $0x1F1E1D;
	vm0 =	vcmask $0x1F10  }
0x3: {  	v19 =	vimm.s32 $0x19181716;
	v23 =	vimm.s32 $0x1001F1E;
	v27 =	vimm.s32 $0x1E1D1C1B  }
0x4: {  	v29 =	vimm.s32 $0x201001F;
	v31 =	vimm.s32 $0x3020100;
	v33 =	vimm.s32 $0x17161514  }
0x5: {  	v34 =	vimm.s32 $0x1B1A1918;
	v51 =	vimm.s32 $0x4030201;
	v52 =	vimm.s32 $0x5040302  }
0x6: {  	v37 =	vimm.s32 $0x6050403;
	v54 =	vimm.s32 $0xA9876543;
	v57 =	vimm.s32 $0x43218765  }
0x7: {  	vm15 =	vcmask $0x2F10;
	v58 =	vimm.s32 $0x54329876;
	v59 =	vimm.s32 $0xC0B0A09  }
0x8: {  	v60 =	vimm.s32 $0x6543A987;
	vm1 =	vcmask $0x3F30;
	v62 =	vimm.s32 $0xD0C0B0A  }
0x9: {  	v63 =	vimm.s32 $0xE0D0C0B;
	v3 =	vmul.u32 $0x20, v0;
	v4 =	vadd.s32 $0x1, v0  }
0xa: {  	v5 =	vadd.s32 $0x2, v0;
	v6 =	vadd.s32 $0x3, v0;
	v7 =	vadd.s32 $0x4, v0  }
0xb: {  	v8 =	vadd.s32 $0x5, v0;
	v9 =	vadd.s32 $0x6, v0;
	v10 =	vadd.s32 $0x7, v0  }
0xc: {  	v11 =	vadd.s32 $0x8, v0;
	v12 =	vadd.s32 $0x9, v0;
	v13 =	vadd.s32 $0xA, v0  }
0xd: {  	v14 =	vadd.s32 $0xB, v0;
	v15 =	vadd.s32 $0xC, v0;
	v48 =	vadd.s32 $0xD, v0  }
0xe: {  	v2 =	vadd.s32 $0xE, v0;
	v17 =	vunpack.c.0.s8.s32 v16;
	v16 =	vimm.s32 $0x18171615  }
0xf: {  	v28 =	vunpack.c.0.s8.s32 v18;
	v18 =	vimm.s32 $0x15141312;
	v22 =	vunpack.c.0.s8.s32 v19  }
0x10: {  	v19 =	vimm.s32 $0x1D1C1B1A;
	v30 =	vunpack.c.0.s8.s32 v23;
	v23 =	vimm.s32 $0x1A191817  }
0x11: {  	v27 =	vunpack.c.0.s8.s32 v27;
	v32 =	vunpack.c.0.s8.s32 v29;
	v29 =	vunpack.c.0.s8.s32 v31  }
0x12: {  	v31 =	vimm.s32 $0x1F1E1D1C;
	v33 =	vunpack.c.0.s8.s32 v33;
	v34 =	vunpack.c.0.s8.s32 v34  }
0x13: {  	v53 =	vunpack.c.0.s8.s32 v37;
	v20 =	vunpack.c.0.s8.s32 v16;
	v16 =	vimm.s32 $0x1C1B1A19  }
0x14: {  	v18 =	vunpack.c.0.s8.s32 v18;
	v24 =	vunpack.c.0.s8.s32 v19;
	v19 =	vimm.s32 $0x16151413  }
0x15: {  	v23 =	vunpack.c.0.s8.s32 v23;
	v31 =	vunpack.c.0.s8.s32 v31;
	v19 =	vunpack.c.0.s8.s32 v19  }
0x16: {  	v21 =	vunpack.c.0.s8.s32 v16;
	v36 =	vsel vm0, v32, v27;
	v17 =	vsel vm0, v20, v17  }
0x17: {  	v35 =	vsel vm0, v23, v19;
	v19 =	vsel vm0, v29, v31;
	v29 =	vsel vm0, v34, v33  }
0x18: {  	v18 =	vsel vm0, v22, v18;
	v19 =	vcombine.low v29, v19;
	v29 =	vunpack.c.0.s8.s32 v51  }
0x19: {  	v26 =	vsel vm0, v30, v24;
	v22 =	vsel vm0, v24, v22;
	v33 =	vunpack.c.0.s8.s32 v52  }
0x1a: {  	v25 =	vsel vm0, v28, v21;
	v21 =	vsel vm0, v21, v20;
	v29 =	vsel vm0, v29, v28  }
0x1b: {  	v24 =	vsel vm0, v53, v32;
	v21 =	vcombine.low v21, v29;
	v29 =	vsel vm0, v33, v30  }
0x1c: {  	v18 =	vcombine.low v18, v26;
	v22 =	vcombine.low v22, v29;
	v29 =	vimm.s32 $0x76543210  }
0x1d: {  	v23 =	vsel vm0, v27, v23;
	v27 =	vunpack.c.l.s4.s8 v29;
	v29 =	vimm.s32 $0x87654321  }
0x1e: {  	v23 =	vcombine.low v23, v24;
	v24 =	vunpack.c.l.s4.s8 v29;
	v29 =	vimm.s32 $0x98765432  }
0x1f: {  	v34 =	vsel vm0, v31, v34;
	v33 =	vunpack.c.l.s4.s8 v54;
	v29 =	vunpack.c.l.s4.s8 v29  }
0x20: {  	v27 =	vunpack.c.0.s8.s32 v27;
	v55 =	vunpack.c.0.s8.s32 v24;
	v24 =	vimm.s32 $0x32107654  }
0x21: {  	v17 =	vcombine.low v17, v25;
	v29 =	vunpack.c.0.s8.s32 v29;
	v56 =	vunpack.c.l.s4.s8 v24  }
0x22: {  	v33 =	vunpack.c.0.s8.s32 v33;
	v24 =	vcombine.low v34, v27;
	v27 =	vand.u32 $0xF, v55  }
0x23: {  	s6 =	rddreg [dreg:$0x0];
	v25 =	vcombine.low v25, v27;
	v27 =	vand.u32 $0xF, v29;
	v29 =	vunpack.c.0.s8.s32 v56  }
0x24: {  	s0 =	rddreg [dreg:$0x1];
	v26 =	vcombine.low v26, v27;
	v27 =	vand.u32 $0xF, v33;
	v33 =	vunpack.c.l.s4.s8 v57  }
0x25: {  	s3 =	srdreg.scid;
	s1 =	stileid.u32;
	s2 =	simm.s32 $0x0;
	v20 =	vcombine.low v35, v36;
	v34 =	vunpack.c.l.s4.s8 v58;
	v29 =	vand.u32 $0xF, v29  }
0x26: {  	s10 =	simm.s32 $0x4000;
	s11 =	simm.s32 $0x6000;
	s12 =	simm.s32 $0x1;
	v29 =	vsel vm15, v29, v31;
	v31 =	vimm.s32 $0xB0A0908;
	v33 =	vunpack.c.0.s8.s32 v33  }
0x27: {  	s13 =	simm.s32 $0x8000;
	s14 =	simm.s32 $0x2;
	s15 =	simm.s32 $0x0;
	v27 =	vcombine.low v36, v27;
	v36 =	vunpack.c.l.s4.s8 v60;
	v31 =	vunpack.c.0.s8.s32 v31  }
0x28: {  	s3 =	sand.u32 $0x1, s3;
	s4 =	sshll.u32 s1, $0x1;
	[smem:$0x7FF] =	sst s2;
	v35 =	vunpack.c.0.s8.s32 v59;
	v34 =	vunpack.c.0.s8.s32 v34;
	v33 =	vand.u32 $0xF, v33  }
0x29: {  	s4 =	sor.u32 s3, s4;
	_ =	strace $0x80000047;
	s8 =	ssub.s32 $0x2, s3;
	v33 =	vsel vm15, v33, v28;
	v28 =	vsel vm1, v31, v29;
	v31 =	vunpack.c.0.s8.s32 v36  }
0x2a: {  	v1 =	vor.u32 $0x10, v0;
	s5 =	sshll.u32 s4, $0xC;
	s7 =	sshll.u32 s4, $0x1;
	s9 =	sshrl.u32 s8, $0x1;
	v61 =	vand.u32 $0xF, v34;
	v34 =	vunpack.c.0.s8.s32 v62  }
0x2b: {  	s3 =	sadd.s32 s6, s5;
	s7 =	sadd.s32 s7, s6;
	s8 =	ssub.s32 s8, s9;
	v29 =	vsel vm1, v35, v33;
	v35 =	vunpack.c.0.s8.s32 v63;
	v31 =	vand.u32 $0xF, v31  }
0x2c: {  	[tilespmem:$0x1FFE0] =	vst v1;
	v16 =	vadd.s32 $0xF, v0;
	s9 =	simm.s32 $0x2000;
	s4 =	sadd.s32 $0x400, s3;
	s5 =	sadd.s32 $0x800, s3;
	v33 =	vsel vm15, v61, v30;
	v32 =	vsel vm15, v31, v32  }
0x2d: {  	s6 =	sadd.s32 $0xC00, s3;
	s7 =	sadd.s32 $0x20000, s7;
	s8 =	smax.u32 s8, $0x1;
	[tilespmem:$0x1FFF0] =	vst v28;
	v31 =	vsel vm1, v34, v33;
	v33 =	vimm.f32 $0.0e+00;
	v30 =	vsel vm1, v35, v32  }
.LBB2_1:
0x2e: {  	[tilespmem:s2], [sflag:$0x1] =	stream.linear.gather [hbm4b:s3+s2], $0x2000, $0x38;
	[tilespmem:$0x8010] =	vst v63  }
0x2f: {  	_ = 	snop  }
0x30: {  	v34 =	vmov s2;
	[tilespmem:s9], [sflag:$0x1] =	stream.linear.gather [hbm4b:s4+s2], $0x2000, $0x38;
	[tilespmem:$0x8010] =	vst v63  }
0x31: {  	v34 =	vshll.u32 v34, $0x5  }
0x32: {  	v34 =	vor.u32 v3, v34;
	[tilespmem:s10], [sflag:$0x1] =	stream.linear.gather [hbm4b:s5+s2], $0x2000, $0x38;
	[tilespmem:$0x8010] =	vst v63  }
0x33: {  	v35 =	vor.u32 v0, v34  }
0x34: {  	v36 =	vor.u32 v4, v34;
	[tilespmem:s11], [sflag:$0x1] =	stream.linear.gather [hbm4b:s6+s2], $0x2000, $0x38;
	[tilespmem:$0x8010] =	vst v63  }
0x35: {  	v38 =	vor.u32 v6, v34;
	_ =	swait.ge [sflag:s12], $0x2000  }
0x36: {  	v39 =	vor.u32 v7, v34;
	[sflag:s12] =	ssyncset.done $0x0  }
0x37: {  	v40 =	vor.u32 v8, v34;
	[sflag:s12] =	ssyncadd.s32 $0xFFFFE000  }
0x38: {  	v41 =	vor.u32 v9, v34;
	v32 =	vld.idx.msk [tilespmem:v35+s2+$0x0], $0xffff  }
0x39: {  	v42 =	vor.u32 v10, v34;
	v0 =	vld.idx.msk [tilespmem:v36+s2+$0x0], $0xffff  }
0x3a: {  	v43 =	vor.u32 v11, v34;
	v38 =	vld.idx.msk [tilespmem:v38+s2+$0x0], $0xffff  }
0x3b: {  	v44 =	vor.u32 v12, v34;
	v39 =	vld.idx.msk [tilespmem:v39+s2+$0x0], $0xffff  }
0x3c: {  	v45 =	vor.u32 v13, v34;
	v40 =	vld.idx.msk [tilespmem:v40+s2+$0x0], $0xffff  }
0x3d: {  	v46 =	vor.u32 v14, v34;
	v41 =	vld.idx.msk [tilespmem:v41+s2+$0x0], $0xffff  }
0x3e: {  	v47 =	vor.u32 v15, v34;
	v42 =	vld.idx.msk [tilespmem:v42+s2+$0x0], $0xffff  }
0x3f: {  	v49 =	vor.u32 v2, v34;
	v43 =	vld.idx.msk [tilespmem:v43+s2+$0x0], $0xffff  }
0x40: {  	v50 =	vor.u32 v16, v34;
	v44 =	vld.idx.msk [tilespmem:v44+s2+$0x0], $0xffff  }
0x41: {  	v51 =	vor.u32 v1, v34;
	v45 =	vld.idx.msk [tilespmem:v45+s2+$0x0], $0xffff  }
0x42: {  	v52 =	vor.u32 v17, v34;
	v46 =	vld.idx.msk [tilespmem:v46+s2+$0x0], $0xffff  }
0x43: {  	v53 =	vor.u32 v18, v34;
	v47 =	vld.idx.msk [tilespmem:v47+s2+$0x0], $0xffff  }
0x44: {  	v55 =	vor.u32 v19, v34;
	v49 =	vld.idx.msk [tilespmem:v49+s2+$0x0], $0xffff  }
0x45: {  	v56 =	vor.u32 v21, v34;
	v50 =	vld.idx.msk [tilespmem:v50+s2+$0x0], $0xffff  }
0x46: {  	v57 =	vor.u32 v22, v34;
	v51 =	vld.idx.msk [tilespmem:v51+s2+$0x0], $0xffff  }
0x47: {  	v58 =	vor.u32 v23, v34;
	v52 =	vld.idx.msk [tilespmem:v52+s2+$0x0], $0xffff  }
0x48: {  	v59 =	vor.u32 v24, v34;
	v53 =	vld.idx.msk [tilespmem:v53+s2+$0x0], $0xffff  }
0x49: {  	v60 =	vor.u32 v25, v34;
	v55 =	vld.idx.msk [tilespmem:v55+s2+$0x0], $0xffff  }
0x4a: {  	v37 =	vor.u32 v5, v34;
	v56 =	vld.idx.msk [tilespmem:v56+s2+$0x0], $0xffff  }
0x4b: {  	v61 =	vor.u32 v26, v34;
	v57 =	vld.idx.msk [tilespmem:v57+s2+$0x0], $0xffff  }
0x4c: {  	v62 =	vor.u32 v27, v34;
	v58 =	vld.idx.msk [tilespmem:v58+s2+$0x0], $0xffff  }
0x4d: {  	v59 =	vld.idx.msk [tilespmem:v59+s2+$0x0], $0xffff  }
0x4e: {  	v60 =	vld.idx.msk [tilespmem:v60+s2+$0x0], $0xffff;
	v35 =	vor.u32 v31, v34  }
0x4f: {  	[tilespmem:$0x1FFC0] =	vst v0;
	v0 =	vld.idx.msk [tilespmem:v37+s2+$0x0], $0xffff;
	v37 =	vor.u32 v48, v34  }
0x50: {  	v61 =	vld.idx.msk [tilespmem:v61+s2+$0x0], $0xffff;
	v36 =	vor.u32 v30, v34  }
0x51: {  	v54 =	vor.u32 v20, v34;
	v62 =	vld.idx.msk [tilespmem:v62+s2+$0x0], $0xffff  }
0x52: {  	v1 =	vld [tilespmem:$0x1FFC0]  }
0x53: {  	v63 =	vor.u32 v28, v34;
	v35 =	vld.idx.msk [tilespmem:v35+s2+$0x0], $0xffff  }
0x54: {  	[tilespmem:$0x1FFD0] =	vst v0;
	v0 =	vmov v48;
	v48 =	vld.idx.msk [tilespmem:v37+s2+$0x0], $0xffff;
	v37 =	vor.u32 v29, v34  }
0x55: {  	v28 =	vmov v26;
	v26 =	vmov v24;
	v24 =	vmov v22;
	v36 =	vld.idx.msk [tilespmem:v36+s2+$0x0], $0xffff  }
0x56: {  	v22 =	vmovc v20;
	v20 =	vmov v18;
	v54 =	vld.idx.msk [tilespmem:v54+s2+$0x0], $0xffff;
	v40 =	vpack.i.f32.bf16 v40, v39;
	v41 =	vpack.i.f32.bf16 v42, v41  }
0x57: {  	v18 =	vmovc v16;
	v42 =	vpack.i.f32.bf16 v44, v43;
	v43 =	vpack.i.f32.bf16 v46, v45;
	v34 =	vpack.i.f32.bf16 v1, v32;
	v1 =	vld [tilespmem:$0x1FFD0]  }
0x58: {  	v63 =	vld.idx.msk [tilespmem:v63+s2+$0x0], $0xffff;
	v45 =	vpack.i.f32.bf16 v50, v49;
	v46 =	vpack.i.f32.bf16 v52, v51;
	v56 =	vpack.i.f32.bf16 v56, v55  }
0x59: {  	v58 =	vpack.i.f32.bf16 v58, v57;
	v60 =	vpack.i.f32.bf16 v60, v59;
	v62 =	vpack.i.f32.bf16 v62, v61;
	v37 =	vld.idx.msk [tilespmem:v37+s2+$0x0], $0xffff  }
0x5a: {  	v39 =	vmax.bf16 v40, v41;
	v40 =	vmin.bf16 v40, v41;
	v50 =	vpack.i.f32.bf16 v36, v35;
	v16 =	vmovc v0  }
0x5b: {  	v32 =	vmovc v31;
	v31 =	vmovc v29;
	v29 =	vmov v27;
	v44 =	vpack.i.f32.bf16 v48, v47;
	v47 =	vpack.i.f32.bf16 v54, v53  }
0x5c: {  	v27 =	vmovc v25;
	v48 =	vmin.bf16 v60, v62;
	v38 =	vpack.i.f32.bf16 v38, v1;
	v41 =	vmax.bf16 v44, v45  }
0x5d: {  	v25 =	vmovc v23;
	v35 =	vmax.bf16 v34, v38;
	v36 =	vmin.bf16 v34, v38;
	v38 =	vmin.bf16 v42, v43  }
0x5e: {  	v23 =	vmovc v21;
	v21 =	vmovc v19;
	v34 =	vimm.f32 $0.0e+00;
	v49 =	vpack.i.f32.bf16 v37, v63;
	v37 =	vmax.bf16 v42, v43  }
0x5f: {  	v19 =	vmovc v17;
	v42 =	vmin.bf16 v44, v45;
	v44 =	vmax.bf16 v46, v47;
	v43 =	vmin.bf16 v46, v47  }
0x60: {  	s16 =	simm.s32 $0x10;
	v17 =	vmovc v2;
	v45 =	vmax.bf16 v56, v58;
	v46 =	vmin.bf16 v56, v58;
	v47 =	vmax.bf16 v60, v62  }
.LBB2_2:
0x61: {  	v51 =	vmax.bf16 v49, v50;
	v49 =	vmin.bf16 v49, v50  }
0x62: {  	v50 =	vmax.bf16 v35, v39;
	v52 =	vmin.bf16 v36, v40;
	v53 =	vmax.bf16 v37, v41  }
0x63: {  	v54 =	vmin.bf16 v38, v42;
	v55 =	vmax.bf16 v44, v45;
	v56 =	vmin.bf16 v43, v46  }
0x64: {  	v35 =	vmin.bf16 v35, v39;
	v60 =	vmax.bf16 v36, v40;
	v37 =	vmin.bf16 v37, v41  }
0x65: {  	v62 =	vmax.bf16 v38, v42;
	v40 =	vmin.bf16 v44, v45;
	v63 =	vmax.bf16 v43, v46  }
0x66: {  	v0 =	vlaneseq.u32;
	v57 =	vmax.bf16 v47, v51;
	v61 =	vmin.bf16 v48, v49  }
0x67: {  	v42 =	vmin.bf16 v47, v51;
	v51 =	vmax.bf16 v48, v49;
	v54 =	vmax.bf16 v50, v54  }
0x68: {  	v58 =	vmax.bf16 v52, v53;
	v59 =	vmax.bf16 v35, v60;
	v35 =	vmin.bf16 v35, v60  }
0x69: {  	v39 =	vmax.bf16 v55, v61;
	v60 =	vmax.bf16 v56, v57;
	v61 =	vmax.bf16 v37, v62  }
0x6a: {  	v37 =	vmin.bf16 v37, v62;
	v62 =	vmax.bf16 v40, v63;
	v40 =	vmin.bf16 v40, v63  }
0x6b: {  	v63 =	vmax.bf16 v42, v51;
	v42 =	vmin.bf16 v42, v51;
	v55 =	vmov s16  }
0x6c: {  	v37 =	vmax.bf16 v59, v37;
	v35 =	vmax.bf16 v35, v61;
	v38 =	vmax.bf16 v62, v42  }
0x6d: {  	v40 =	vmax.bf16 v40, v63;
	v46 =	vmax.bf16 v54, v35;
	v35 =	vmin.bf16 v54, v35  }
0x6e: {  	v47 =	vmax.bf16 v37, v58;
	v37 =	vmin.bf16 v37, v58;
	v48 =	vmax.bf16 v39, v40  }
0x6f: {  	v39 =	vmin.bf16 v39, v40;
	v49 =	vmax.bf16 v38, v60;
	v36 =	vmin.bf16 v38, v60  }
0x70: {  	v50 =	vmax.bf16 v46, v47;
	v41 =	vmin.bf16 v46, v47;
	v51 =	vmax.bf16 v35, v37  }
0x71: {  	v35 =	vmin.bf16 v35, v37;
	v52 =	vmax.bf16 v48, v49;
	v53 =	vmin.bf16 v39, v36  }
0x72: {  	v40 =	vmin.bf16 v48, v49;
	v36 =	vmax.bf16 v39, v36;
	v38 =	vmax.bf16 v50, v53  }
0x73: {  	v36 =	vmax.bf16 v41, v36;
	v54 =	vmax.bf16 v51, v40;
	v35 =	vmax.bf16 v35, v52  }
0x74: {  	v37 =	vshll.u32 v55, $0x5;
	v40 =	vmax.bf16 v38, v54;
	v41 =	vmax.bf16 v36, v35  }
0x75: {  	v38 =	vmin.bf16 v38, v54;
	v35 =	vmin.bf16 v36, v35;
	v56 =	vmax.bf16 v40, v41  }
0x76: {  	v57 =	vmin.bf16 v40, v41;
	v58 =	vmax.bf16 v38, v35;
	v35 =	vmin.bf16 v38, v35  }
0x77: {  	v59 =	vunpack.i.u.bf16.f32 v56;
	v41 =	vunpack.i.u.bf16.f32 v57;
	v60 =	vunpack.i.l.bf16.f32 v35  }
0x78: {  	v36 =	vunpack.i.l.bf16.f32 v56;
	v35 =	vunpack.i.u.bf16.f32 v35;
	v39 =	vunpack.i.l.bf16.f32 v57  }
0x79: {  	v40 =	vunpack.i.u.bf16.f32 v58;
	v35 =	vmax.f32 v36, v35;
	v36 =	vor.u32 v3, v37  }
0x7a: {  	v61 =	vunpack.i.l.bf16.f32 v58;
	v62 =	vmax.f32 v39, v40;
	v44 =	vor.u32 v0, v36  }
0x7b: {  	v63 =	vmax.f32 v61, v41;
	v38 =	vmax.f32 v60, v59;
	v45 =	vor.u32 v4, v36  }
0x7c: {  	vm0 =	vlt.f32 v35, $-Inf;
	vm1 =	vgt.f32 v35, $-Inf;
	v46 =	vor.u32 v5, v36  }
0x7d: {  	vm2 =	vlt.f32 v62, $-Inf;
	vm3 =	vgt.f32 v62, $-Inf;
	v48 =	vor.u32 v7, v36  }
0x7e: {  	vm12 =	vlt.f32 v63, $-Inf;
	vm13 =	vgt.f32 v63, $-Inf;
	v49 =	vor.u32 v8, v36;
	v0 =	vld [tilespmem:$0x1FFE0]  }
0x7f: {  	vm14 =	vlt.f32 v38, $-Inf;
	vm15 =	vgt.f32 v38, $-Inf;
	v50 =	vor.u32 v9, v36;
	v38 =	vld.idx.msk [tilespmem:v44+s2+$0x0], $0xffff  }
0x80: {  	v52 =	vor.u32 v11, v36;
	vm0 =	vmor vm1, vm0;
	vm11 =	vmor vm3, vm2;
	v37 =	vld.idx.msk [tilespmem:v45+s2+$0x0], $0xffff  }
0x81: {  	v53 =	vor.u32 v12, v36;
	v40 =	vsel vm0, $0x3F800000, v33;
	v41 =	vsel vm11, $0x3F800000, v33;
	v39 =	vld.idx.msk [tilespmem:v46+s2+$0x0], $0xffff  }
0x82: {  	v54 =	vor.u32 v13, v36;
	vm0 =	vmor vm13, vm12;
	v35 =	vadd.f32 v40, v41;
	v40 =	vld.idx.msk [tilespmem:v48+s2+$0x0], $0xffff  }
0x83: {  	v56 =	vor.u32 v15, v36;
	v42 =	vsel vm0, $0x3F800000, v33;
	v41 =	vld.idx.msk [tilespmem:v49+s2+$0x0], $0xffff  }
0x84: {  	v57 =	vor.u32 v16, v36;
	v35 =	vadd.f32 v35, v42;
	v42 =	vld.idx.msk [tilespmem:v50+s2+$0x0], $0xffff  }
0x85: {  	v58 =	vor.u32 v17, v36;
	v44 =	vld.idx.msk [tilespmem:v52+s2+$0x0], $0xffff  }
0x86: {  	v61 =	vor.u32 v19, v36;
	v45 =	vld.idx.msk [tilespmem:v53+s2+$0x0], $0xffff  }
0x87: {  	v62 =	vor.u32 v20, v36;
	v46 =	vld.idx.msk [tilespmem:v54+s2+$0x0], $0xffff  }
0x88: {  	v48 =	vld.idx.msk [tilespmem:v56+s2+$0x0], $0xffff  }
0x89: {  	v1 =	vor.u32 v31, v36;
	v49 =	vld.idx.msk [tilespmem:v57+s2+$0x0], $0xffff  }
0x8a: {  	v2 =	vor.u32 v32, v36;
	v50 =	vld.idx.msk [tilespmem:v58+s2+$0x0], $0xffff  }
0x8b: {  	v51 =	vor.u32 v10, v36;
	v53 =	vld.idx.msk [tilespmem:v61+s2+$0x0], $0xffff  }
0x8c: {  	v59 =	vor.u32 v18, v36;
	v54 =	vld.idx.msk [tilespmem:v62+s2+$0x0], $0xffff  }
0x8d: {  	v47 =	vor.u32 v6, v36;
	v60 =	vor.u32 v0, v36;
	v0 =	vld [tilespmem:$0x1FFF0]  }
0x8e: {  	v55 =	vor.u32 v14, v36;
	vm0 =	vmor vm15, vm14;
	v1 =	vld.idx.msk [tilespmem:v1+s2+$0x0], $0xffff  }
0x8f: {  	v63 =	vor.u32 v22, v36;
	v43 =	vsel vm0, $0x3F800000, v33;
	v2 =	vld.idx.msk [tilespmem:v2+s2+$0x0], $0xffff  }
0x90: {  	v35 =	vadd.f32 v35, v43;
	v43 =	vld.idx.msk [tilespmem:v51+s2+$0x0], $0xffff  }
0x91: {  	v56 =	vor.u32 v21, v36;
	v51 =	vld.idx.msk [tilespmem:v59+s2+$0x0], $0xffff  }
0x92: {  	v57 =	vor.u32 v23, v36;
	v34 =	vadd.f32 v35, v34;
	v35 =	vld.idx.msk [tilespmem:v47+s2+$0x0], $0xffff  }
0x93: {  	v58 =	vor.u32 v24, v36;
	v47 =	vld.idx.msk [tilespmem:v55+s2+$0x0], $0xffff  }
0x94: {  	v61 =	vor.u32 v27, v36;
	v55 =	vld.idx.msk [tilespmem:v63+s2+$0x0], $0xffff  }
0x95: {  	v62 =	vor.u32 v28, v36;
	v52 =	vld.idx.msk [tilespmem:v60+s2+$0x0], $0xffff  }
0x96: {  	v59 =	vor.u32 v25, v36;
	v56 =	vld.idx.msk [tilespmem:v56+s2+$0x0], $0xffff  }
0x97: {  	v63 =	vor.u32 v29, v36;
	v57 =	vld.idx.msk [tilespmem:v57+s2+$0x0], $0xffff  }
0x98: {  	v60 =	vor.u32 v26, v36;
	v58 =	vld.idx.msk [tilespmem:v58+s2+$0x0], $0xffff  }
0x99: {  	v0 =	vor.u32 v0, v36;
	v61 =	vld.idx.msk [tilespmem:v61+s2+$0x0], $0xffff  }
0x9a: {  	v62 =	vld.idx.msk [tilespmem:v62+s2+$0x0], $0xffff;
	v36 =	vor.u32 v30, v36  }
0x9b: {  	v59 =	vld.idx.msk [tilespmem:v59+s2+$0x0], $0xffff  }
0x9c: {  	v63 =	vld.idx.msk [tilespmem:v63+s2+$0x0], $0xffff  }
0x9d: {  	v60 =	vld.idx.msk [tilespmem:v60+s2+$0x0], $0xffff  }
0x9e: {  	v37 =	vpack.i.f32.bf16 v37, v38;
	v40 =	vpack.i.f32.bf16 v41, v40;
	v41 =	vpack.i.f32.bf16 v43, v42;
	v0 =	vld.idx.msk [tilespmem:v0+s2+$0x0], $0xffff  }
0x9f: {  	v42 =	vpack.i.f32.bf16 v45, v44;
	v44 =	vpack.i.f32.bf16 v49, v48;
	v45 =	vpack.i.f32.bf16 v51, v50;
	v36 =	vld.idx.msk [tilespmem:v36+s2+$0x0], $0xffff  }
0xa0: {  	v38 =	vpack.i.f32.bf16 v35, v39;
	v43 =	vpack.i.f32.bf16 v47, v46;
	v47 =	vpack.i.f32.bf16 v55, v54  }
0xa1: {  	v39 =	vmax.bf16 v40, v41;
	v40 =	vmin.bf16 v40, v41;
	v41 =	vmax.bf16 v44, v45  }
0xa2: {  	p0 =	sne.s32 s16, $0xF0;
	v46 =	vpack.i.f32.bf16 v53, v52;
	v57 =	vpack.i.f32.bf16 v57, v56;
	v35 =	vmax.bf16 v37, v38  }
.Ltmp0:
0xa3: {  	v59 =	vpack.i.f32.bf16 v59, v58;
	v63 =	vpack.i.f32.bf16 v63, v62;
	v61 =	vpack.i.f32.bf16 v61, v60;
	(pc) =	sbr.rel @p0 .LBB2_2-.Ltmp0, $4  }
0xa4: {  	v49 =	vpack.i.f32.bf16 v1, v0;
	v50 =	vpack.i.f32.bf16 v36, v2;
	v36 =	vmin.bf16 v37, v38  }
0xa5: {  	v37 =	vmax.bf16 v42, v43;
	v38 =	vmin.bf16 v42, v43;
	v42 =	vmin.bf16 v44, v45  }
0xa6: {  	v44 =	vmax.bf16 v46, v47;
	v43 =	vmin.bf16 v46, v47;
	v45 =	vmax.bf16 v57, v59  }
0xa7: {  	s16 =	sadd.s32 $0x10, s16;
	v46 =	vmin.bf16 v57, v59;
	v47 =	vmax.bf16 v61, v63;
	v48 =	vmin.bf16 v61, v63  }
0xa8: {  	v0 =	vmax.bf16 v49, v50;
	v1 =	vmin.bf16 v49, v50;
	v2 =	vmax.bf16 v35, v39  }
0xa9: {  	v49 =	vmin.bf16 v36, v40;
	v50 =	vmax.bf16 v37, v41;
	v51 =	vmin.bf16 v38, v42  }
0xaa: {  	v52 =	vmax.bf16 v44, v45;
	v53 =	vmin.bf16 v43, v46;
	v57 =	vmin.bf16 v35, v39  }
0xab: {  	v58 =	vmax.bf16 v36, v40;
	v60 =	vmin.bf16 v37, v41;
	v61 =	vmax.bf16 v38, v42  }
0xac: {  	v62 =	vmin.bf16 v44, v45;
	v63 =	vmax.bf16 v43, v46;
	v54 =	vmax.bf16 v47, v0  }
0xad: {  	v59 =	vmin.bf16 v48, v1;
	v0 =	vmin.bf16 v47, v0;
	v1 =	vmax.bf16 v48, v1  }
0xae: {  	s16 =	simm.s32 $0x100;
	v2 =	vmax.bf16 v2, v51;
	v51 =	vmax.bf16 v49, v50;
	v56 =	vmax.bf16 v57, v58  }
0xaf: {  	v35 =	vmin.bf16 v57, v58;
	v57 =	vmov s16;
	v58 =	vmax.bf16 v60, v61  }
0xb0: {  	v37 =	vmin.bf16 v60, v61;
	v40 =	vmin.bf16 v62, v63;
	v61 =	vlaneseq.u32  }
0xb1: {  	v39 =	vmax.bf16 v52, v59;
	v44 =	vmax.bf16 v53, v54;
	v36 =	vshll.u32 v57, $0x5  }
0xb2: {  	v59 =	vmax.bf16 v62, v63;
	v60 =	vmax.bf16 v0, v1;
	v36 =	vor.u32 v3, v36  }
0xb3: {  	v0 =	vmin.bf16 v0, v1;
	v1 =	vmax.bf16 v56, v37;
	v46 =	vor.u32 v61, v36  }
0xb4: {  	v35 =	vmax.bf16 v35, v58;
	v0 =	vmax.bf16 v59, v0;
	v62 =	vor.u32 v4, v36  }
0xb5: {  	_ =	swait.ge [sflag:s12], $0x2000;
	v52 =	vmax.bf16 v2, v35;
	v2 =	vmin.bf16 v2, v35;
	v53 =	vor.u32 v6, v36  }
0xb6: {  	[sflag:s12] =	ssyncset.done $0x0;
	v40 =	vmax.bf16 v40, v60;
	v54 =	vmax.bf16 v1, v51;
	v55 =	vor.u32 v7, v36  }
0xb7: {  	[sflag:s12] =	ssyncadd.s32 $0xFFFFE000;
	v1 =	vmin.bf16 v1, v51;
	v63 =	vor.u32 v5, v36;
	v57 =	vor.u32 v8, v36  }
0xb8: {  	v56 =	vmax.bf16 v39, v40;
	v39 =	vmin.bf16 v39, v40;
	v59 =	vor.u32 v9, v36;
	v46 =	vld.idx.msk [tilespmem:v46+s2+$0x0], $0xffff  }
0xb9: {  	v58 =	vmax.bf16 v0, v44;
	v60 =	vmax.bf16 v52, v54;
	v41 =	vmin.bf16 v52, v54;
	v37 =	vld.idx.msk [tilespmem:v62+s2+$0x0], $0xffff  }
0xba: {  	v54 =	vor.u32 v23, v36;
	v40 =	vmin.bf16 v56, v58;
	v62 =	vmax.bf16 v2, v1;
	v38 =	vld.idx.msk [tilespmem:v53+s2+$0x0], $0xffff  }
0xbb: {  	v1 =	vmin.bf16 v2, v1;
	v2 =	vmax.bf16 v56, v58;
	v45 =	vld.idx.msk [tilespmem:v55+s2+$0x0], $0xffff;
	v56 =	vor.u32 v13, v36  }
0xbc: {  	v42 =	vld.idx.msk [tilespmem:v57+s2+$0x0], $0xffff;
	v58 =	vor.u32 v14, v36  }
0xbd: {  	v0 =	vmin.bf16 v0, v44;
	v61 =	vor.u32 v10, v36;
	v44 =	vld.idx.msk [tilespmem:v59+s2+$0x0], $0xffff  }
0xbe: {  	[tilespmem:$0x1FFA0] =	vst v46;
	v46 =	vld.idx.msk [tilespmem:v63+s2+$0x0], $0xffff;
	v63 =	vor.u32 v11, v36  }
0xbf: {  	v35 =	vor.u32 v12, v36;
	v59 =	vor.u32 v15, v36;
	v54 =	vld.idx.msk [tilespmem:v54+s2+$0x0], $0xffff  }
0xc0: {  	v53 =	vor.u32 v18, v36;
	v55 =	vor.u32 v19, v36;
	v40 =	vmax.bf16 v62, v40;
	v47 =	vld.idx.msk [tilespmem:v56+s2+$0x0], $0xffff  }
0xc1: {  	[tilespmem:$0x1FFB0] =	vst v37;
	v37 =	vmin.bf16 v39, v0;
	v0 =	vmax.bf16 v39, v0;
	v48 =	vld.idx.msk [tilespmem:v58+s2+$0x0], $0xffff  }
0xc2: {  	v57 =	vmax.bf16 v60, v37;
	v0 =	vmax.bf16 v41, v0;
	v41 =	vld.idx.msk [tilespmem:v61+s2+$0x0], $0xffff;
	v60 =	vor.u32 v16, v36  }
0xc3: {  	v1 =	vmax.bf16 v1, v2;
	v62 =	vor.u32 v17, v36;
	v2 =	vmax.bf16 v57, v40;
	v49 =	vld.idx.msk [tilespmem:v63+s2+$0x0], $0xffff  }
0xc4: {  	v61 =	vmax.bf16 v0, v1;
	v39 =	vmin.bf16 v57, v40;
	v0 =	vmin.bf16 v0, v1;
	v63 =	vld [tilespmem:$0x1FFE0]  }
0xc5: {  	v43 =	vld.idx.msk [tilespmem:v59+s2+$0x0], $0xffff;
	v1 =	vmax.bf16 v2, v61;
	v2 =	vmin.bf16 v2, v61;
	v52 =	vmax.bf16 v39, v0  }
0xc6: {  	v53 =	vld.idx.msk [tilespmem:v53+s2+$0x0], $0xffff;
	v0 =	vmin.bf16 v39, v0;
	v61 =	vor.u32 v21, v36;
	v39 =	vunpack.i.u.bf16.f32 v1  }
0xc7: {  	v56 =	vunpack.i.u.bf16.f32 v2;
	v57 =	vunpack.i.l.bf16.f32 v0;
	v50 =	vld.idx.msk [tilespmem:v60+s2+$0x0], $0xffff;
	v60 =	vor.u32 v22, v36  }
0xc8: {  	v55 =	vld.idx.msk [tilespmem:v55+s2+$0x0], $0xffff;
	v1 =	vunpack.i.l.bf16.f32 v1;
	v59 =	vunpack.i.l.bf16.f32 v52;
	v0 =	vunpack.i.u.bf16.f32 v0  }
0xc9: {  	v40 =	vld.idx.msk [tilespmem:v35+s2+$0x0], $0xffff;
	v2 =	vunpack.i.l.bf16.f32 v2;
	v52 =	vunpack.i.u.bf16.f32 v52;
	v35 =	vor.u32 v63, v36  }
0xca: {  	v58 =	vor.u32 v20, v36;
	v51 =	vld.idx.msk [tilespmem:v62+s2+$0x0], $0xffff;
	v0 =	vmax.f32 v1, v0;
	v2 =	vmax.f32 v2, v52  }
0xcb: {  	v52 =	vmax.f32 v59, v56;
	v56 =	vor.u32 v24, v36;
	v59 =	vor.u32 v26, v36;
	v1 =	vld [tilespmem:$0x1FFF0]  }
0xcc: {  	v39 =	vmax.f32 v57, v39;
	vm2 =	vlt.f32 v2, $-Inf;
	vm3 =	vgt.f32 v2, $-Inf;
	v2 =	vld.idx.msk [tilespmem:v60+s2+$0x0], $0xffff  }
0xcd: {  	vm0 =	vlt.f32 v0, $-Inf;
	vm1 =	vgt.f32 v0, $-Inf;
	v60 =	vld.idx.msk [tilespmem:v61+s2+$0x0], $0xffff;
	v61 =	vor.u32 v27, v36  }
0xce: {  	vm12 =	vlt.f32 v52, $-Inf;
	vm13 =	vgt.f32 v52, $-Inf;
	v63 =	vor.u32 v28, v36;
	v37 =	vld.idx.msk [tilespmem:v35+s2+$0x0], $0xffff  }
0xcf: {  	vm0 =	vmor vm1, vm0;
	vm11 =	vmor vm3, vm2;
	v35 =	vld.idx.msk [tilespmem:v58+s2+$0x0], $0xffff;
	v58 =	vor.u32 v25, v36  }
0xd0: {  	v62 =	vsel vm0, $0x3F800000, v33;
	v0 =	vsel vm11, $0x3F800000, v33;
	v52 =	vld.idx.msk [tilespmem:v56+s2+$0x0], $0xffff;
	v56 =	vor.u32 v29, v36  }
0xd1: {  	vm14 =	vlt.f32 v39, $-Inf;
	vm0 =	vmor vm13, vm12;
	v0 =	vadd.f32 v62, v0;
	v59 =	vld.idx.msk [tilespmem:v59+s2+$0x0], $0xffff  }
0xd2: {  	vm15 =	vgt.f32 v39, $-Inf;
	v62 =	vsel vm0, $0x3F800000, v33;
	v39 =	vld.idx.msk [tilespmem:v61+s2+$0x0], $0xffff;
	v61 =	vor.u32 v32, v36  }
0xd3: {  	vm0 =	vmor vm15, vm14;
	v0 =	vadd.f32 v0, v62;
	v62 =	vld.idx.msk [tilespmem:v63+s2+$0x0], $0xffff  }
0xd4: {  	v63 =	vsel vm0, $0x3F800000, v33;
	v57 =	vld.idx.msk [tilespmem:v58+s2+$0x0], $0xffff;
	v58 =	vor.u32 v1, v36  }
0xd5: {  	v56 =	vld.idx.msk [tilespmem:v56+s2+$0x0], $0xffff;
	v0 =	vadd.f32 v0, v63;
	v1 =	vor.u32 v31, v36  }
0xd6: {  	v63 =	vld [tilespmem:$0x1FFB0];
	v36 =	vor.u32 v30, v36  }
0xd7: {  	v34 =	vadd.f32 v0, v34;
	v0 =	vld.idx.msk [tilespmem:v61+s2+$0x0], $0xffff  }
0xd8: {  	v61 =	vld [tilespmem:$0x1FFA0]  }
0xd9: {  	v42 =	vpack.i.f32.bf16 v42, v45;
	v38 =	vpack.i.f32.bf16 v38, v46;
	v45 =	vpack.i.f32.bf16 v48, v47;
	v58 =	vld.idx.msk [tilespmem:v58+s2+$0x0], $0xffff  }
0xda: {  	v41 =	vpack.i.f32.bf16 v41, v44;
	v46 =	vpack.i.f32.bf16 v53, v51;
	v44 =	vpack.i.f32.bf16 v40, v49;
	v1 =	vld.idx.msk [tilespmem:v1+s2+$0x0], $0xffff  }
0xdb: {  	v40 =	vmin.bf16 v42, v41;
	v43 =	vpack.i.f32.bf16 v50, v43;
	v48 =	vpack.i.f32.bf16 v54, v60;
	v36 =	vld.idx.msk [tilespmem:v36+s2+$0x0], $0xffff  }
0xdc: {  	v47 =	vpack.i.f32.bf16 v55, v37;
	v2 =	vpack.i.f32.bf16 v2, v35;
	v37 =	vmax.bf16 v44, v45  }
0xdd: {  	v60 =	vpack.i.f32.bf16 v39, v59;
	v39 =	vmax.bf16 v42, v41;
	v41 =	vmax.bf16 v43, v46  }
0xde: {  	v42 =	vmin.bf16 v43, v46;
	v43 =	vmin.bf16 v47, v2;
	v57 =	vpack.i.f32.bf16 v57, v52  }
0xdf: {  	v61 =	vpack.i.f32.bf16 v63, v61;
	v63 =	vpack.i.f32.bf16 v56, v62;
	v46 =	vmin.bf16 v48, v57  }
0xe0: {  	v35 =	vmax.bf16 v61, v38;
	v49 =	vpack.i.f32.bf16 v1, v58;
	v50 =	vpack.i.f32.bf16 v36, v0  }
0xe1: {  	v36 =	vmin.bf16 v61, v38;
	v38 =	vmin.bf16 v44, v45;
	v44 =	vmax.bf16 v47, v2  }
0xe2: {  	s16 =	simm.s32 $0x110;
	v45 =	vmax.bf16 v48, v57;
	v47 =	vmax.bf16 v60, v63;
	v48 =	vmin.bf16 v60, v63  }
.LBB2_4:
0xe3: {  	v0 =	vmax.bf16 v49, v50;
	v1 =	vmin.bf16 v49, v50;
	v2 =	vmax.bf16 v35, v39  }
0xe4: {  	v60 =	vmin.bf16 v36, v40;
	v61 =	vmax.bf16 v37, v41;
	v51 =	vmin.bf16 v38, v42  }
0xe5: {  	v52 =	vmax.bf16 v44, v45;
	v53 =	vmin.bf16 v43, v46;
	v62 =	vmin.bf16 v35, v39  }
0xe6: {  	v63 =	vmax.bf16 v36, v40;
	v56 =	vmin.bf16 v37, v41;
	v57 =	vmax.bf16 v38, v42  }
0xe7: {  	v58 =	vmin.bf16 v44, v45;
	v59 =	vmax.bf16 v43, v46;
	v54 =	vmax.bf16 v47, v0  }
0xe8: {  	v55 =	vmin.bf16 v48, v1;
	v0 =	vmin.bf16 v47, v0;
	v1 =	vmax.bf16 v48, v1  }
0xe9: {  	v2 =	vmax.bf16 v2, v51;
	v60 =	vmax.bf16 v60, v61;
	v61 =	vmax.bf16 v62, v63  }
0xea: {  	v35 =	vmin.bf16 v62, v63;
	v63 =	vmax.bf16 v56, v57;
	v37 =	vmin.bf16 v56, v57  }
0xeb: {  	v46 =	vmax.bf16 v58, v59;
	v40 =	vmin.bf16 v58, v59;
	v39 =	vmax.bf16 v52, v55  }
0xec: {  	v62 =	vmax.bf16 v53, v54;
	v47 =	vmax.bf16 v0, v1;
	v0 =	vmin.bf16 v0, v1  }
0xed: {  	v1 =	vmax.bf16 v61, v37;
	v35 =	vmax.bf16 v35, v63;
	v0 =	vmax.bf16 v46, v0  }
0xee: {  	v48 =	vmax.bf16 v2, v35;
	v2 =	vmin.bf16 v2, v35;
	v49 =	vmax.bf16 v40, v47  }
0xef: {  	v50 =	vmax.bf16 v1, v60;
	v1 =	vmin.bf16 v1, v60;
	v40 =	vmax.bf16 v39, v49  }
0xf0: {  	v35 =	vmin.bf16 v39, v49;
	v51 =	vmax.bf16 v0, v62;
	v0 =	vmin.bf16 v0, v62  }
0xf1: {  	v52 =	vmax.bf16 v48, v50;
	v37 =	vmin.bf16 v48, v50;
	v53 =	vmax.bf16 v2, v1  }
0xf2: {  	v1 =	vmin.bf16 v2, v1;
	v2 =	vmax.bf16 v40, v51;
	v54 =	vmin.bf16 v35, v0  }
0xf3: {  	v39 =	vmin.bf16 v40, v51;
	v0 =	vmax.bf16 v35, v0;
	v55 =	vmax.bf16 v52, v54  }
0xf4: {  	v0 =	vmax.bf16 v37, v0;
	v56 =	vmax.bf16 v53, v39;
	v1 =	vmax.bf16 v1, v2  }
0xf5: {  	v57 =	vmax.bf16 v55, v56;
	v58 =	vmax.bf16 v0, v1  }
0xf6: {  	v35 =	vmin.bf16 v55, v56;
	v0 =	vmin.bf16 v0, v1;
	v1 =	vmax.bf16 v57, v58  }
0xf7: {  	v59 =	vmin.bf16 v57, v58;
	v60 =	vmax.bf16 v35, v0;
	v0 =	vmin.bf16 v35, v0  }
0xf8: {  	v61 =	vunpack.i.u.bf16.f32 v1;
	v38 =	vunpack.i.u.bf16.f32 v59;
	v62 =	vunpack.i.l.bf16.f32 v0  }
0xf9: {  	v1 =	vunpack.i.l.bf16.f32 v1;
	v63 =	vunpack.i.l.bf16.f32 v60;
	v0 =	vunpack.i.u.bf16.f32 v0  }
0xfa: {  	v36 =	vunpack.i.l.bf16.f32 v59;
	v37 =	vunpack.i.u.bf16.f32 v60;
	v0 =	vmax.f32 v1, v0  }
0xfb: {  	v1 =	vmax.f32 v36, v37;
	v43 =	vmax.f32 v63, v38;
	vm0 =	vlt.f32 v0, $-Inf  }
0xfc: {  	vm1 =	vgt.f32 v0, $-Inf;
	vm2 =	vlt.f32 v1, $-Inf;
	vm3 =	vgt.f32 v1, $-Inf  }
0xfd: {  	vm12 =	vlt.f32 v43, $-Inf;
	vm0 =	vmor vm1, vm0;
	vm11 =	vmor vm3, vm2  }
0xfe: {  	vm13 =	vgt.f32 v43, $-Inf;
	v0 =	vsel vm0, $0x3F800000, v33;
	v1 =	vsel vm11, $0x3F800000, v33  }
0xff: {  	v2 =	vmov s16;
	vm0 =	vmor vm13, vm12;
	v0 =	vadd.f32 v0, v1  }
0x100: {  	v44 =	vlaneseq.u32;
	v2 =	vshll.u32 v2, $0x5;
	v1 =	vsel vm0, $0x3F800000, v33  }
0x101: {  	v35 =	vmax.f32 v62, v61;
	v0 =	vadd.f32 v0, v1;
	v1 =	vor.u32 v3, v2  }
0x102: {  	vm14 =	vlt.f32 v35, $-Inf;
	vm15 =	vgt.f32 v35, $-Inf;
	v35 =	vor.u32 v44, v1  }
0x103: {  	v45 =	vor.u32 v5, v1  }
0x104: {  	v46 =	vor.u32 v7, v1  }
0x105: {  	v47 =	vor.u32 v8, v1  }
0x106: {  	v58 =	vld [tilespmem:$0x1FFE0];
	v48 =	vor.u32 v9, v1  }
0x107: {  	v49 =	vor.u32 v10, v1;
	v35 =	vld.idx.msk [tilespmem:v35+s2+$0x0], $0xffff  }
0x108: {  	v50 =	vor.u32 v11, v1;
	v36 =	vld.idx.msk [tilespmem:v45+s2+$0x0], $0xffff  }
0x109: {  	v51 =	vor.u32 v12, v1;
	v37 =	vld.idx.msk [tilespmem:v46+s2+$0x0], $0xffff  }
0x10a: {  	v52 =	vor.u32 v13, v1;
	v38 =	vld.idx.msk [tilespmem:v47+s2+$0x0], $0xffff  }
0x10b: {  	v53 =	vor.u32 v14, v1;
	v39 =	vld.idx.msk [tilespmem:v48+s2+$0x0], $0xffff  }
0x10c: {  	v54 =	vor.u32 v15, v1;
	v40 =	vld.idx.msk [tilespmem:v49+s2+$0x0], $0xffff  }
0x10d: {  	v55 =	vor.u32 v16, v1;
	v41 =	vld.idx.msk [tilespmem:v50+s2+$0x0], $0xffff  }
0x10e: {  	v56 =	vor.u32 v17, v1;
	v42 =	vld.idx.msk [tilespmem:v51+s2+$0x0], $0xffff  }
0x10f: {  	v57 =	vor.u32 v18, v1;
	v43 =	vld.idx.msk [tilespmem:v52+s2+$0x0], $0xffff  }
0x110: {  	v59 =	vor.u32 v19, v1;
	v44 =	vld.idx.msk [tilespmem:v53+s2+$0x0], $0xffff  }
0x111: {  	v60 =	vor.u32 v20, v1;
	v45 =	vld.idx.msk [tilespmem:v54+s2+$0x0], $0xffff  }
0x112: {  	v61 =	vor.u32 v22, v1;
	v46 =	vld.idx.msk [tilespmem:v55+s2+$0x0], $0xffff  }
0x113: {  	vm0 =	vmor vm15, vm14;
	v62 =	vor.u32 v21, v1;
	v47 =	vld.idx.msk [tilespmem:v56+s2+$0x0], $0xffff  }
0x114: {  	v2 =	vsel vm0, $0x3F800000, v33;
	v63 =	vor.u32 v23, v1;
	v48 =	vld.idx.msk [tilespmem:v57+s2+$0x0], $0xffff  }
0x115: {  	v0 =	vadd.f32 v0, v2;
	v50 =	vld.idx.msk [tilespmem:v59+s2+$0x0], $0xffff  }
0x116: {  	v2 =	vor.u32 v4, v1;
	v51 =	vld.idx.msk [tilespmem:v60+s2+$0x0], $0xffff  }
0x117: {  	v34 =	vadd.f32 v0, v34;
	v0 =	vor.u32 v6, v1;
	v52 =	vld.idx.msk [tilespmem:v61+s2+$0x0], $0xffff  }
0x118: {  	v49 =	vor.u32 v58, v1;
	v53 =	vld.idx.msk [tilespmem:v62+s2+$0x0], $0xffff  }
0x119: {  	v55 =	vor.u32 v24, v1;
	v54 =	vld.idx.msk [tilespmem:v63+s2+$0x0], $0xffff  }
0x11a: {  	v56 =	vor.u32 v25, v1;
	v61 =	vld [tilespmem:$0x1FFF0]  }
0x11b: {  	v57 =	vor.u32 v26, v1;
	v2 =	vld.idx.msk [tilespmem:v2+s2+$0x0], $0xffff  }
0x11c: {  	v58 =	vor.u32 v27, v1;
	v0 =	vld.idx.msk [tilespmem:v0+s2+$0x0], $0xffff  }
0x11d: {  	v59 =	vor.u32 v28, v1;
	v49 =	vld.idx.msk [tilespmem:v49+s2+$0x0], $0xffff  }
0x11e: {  	v60 =	vor.u32 v29, v1;
	v55 =	vld.idx.msk [tilespmem:v55+s2+$0x0], $0xffff  }
0x11f: {  	v62 =	vor.u32 v31, v1;
	v56 =	vld.idx.msk [tilespmem:v56+s2+$0x0], $0xffff  }
0x120: {  	v63 =	vor.u32 v32, v1;
	v57 =	vld.idx.msk [tilespmem:v57+s2+$0x0], $0xffff  }
0x121: {  	v61 =	vor.u32 v61, v1;
	v58 =	vld.idx.msk [tilespmem:v58+s2+$0x0], $0xffff  }
0x122: {  	v59 =	vld.idx.msk [tilespmem:v59+s2+$0x0], $0xffff;
	v1 =	vor.u32 v30, v1  }
0x123: {  	v60 =	vld.idx.msk [tilespmem:v60+s2+$0x0], $0xffff;
	v37 =	vpack.i.f32.bf16 v38, v37;
	v38 =	vpack.i.f32.bf16 v40, v39;
	v41 =	vpack.i.f32.bf16 v42, v41  }
0x124: {  	v62 =	vld.idx.msk [tilespmem:v62+s2+$0x0], $0xffff;
	v42 =	vpack.i.f32.bf16 v44, v43;
	v43 =	vpack.i.f32.bf16 v46, v45;
	v44 =	vpack.i.f32.bf16 v48, v47  }
0x125: {  	v63 =	vld.idx.msk [tilespmem:v63+s2+$0x0], $0xffff;
	v46 =	vpack.i.f32.bf16 v52, v51;
	v47 =	vpack.i.f32.bf16 v54, v53;
	v2 =	vpack.i.f32.bf16 v2, v35  }
0x126: {  	v39 =	vmax.bf16 v37, v38;
	v40 =	vmin.bf16 v37, v38;
	v37 =	vmax.bf16 v41, v42;
	v61 =	vld.idx.msk [tilespmem:v61+s2+$0x0], $0xffff  }
0x127: {  	p0 =	sne.s32 s16, $0x1F0;
	v38 =	vmin.bf16 v41, v42;
	v41 =	vmax.bf16 v43, v44;
	v0 =	vpack.i.f32.bf16 v0, v36;
	v1 =	vld.idx.msk [tilespmem:v1+s2+$0x0], $0xffff  }
.Ltmp1:
0x128: {  	v42 =	vmin.bf16 v43, v44;
	v35 =	vmax.bf16 v2, v0;
	v36 =	vmin.bf16 v2, v0;
	(pc) =	sbr.rel @p0 .LBB2_4-.Ltmp1, $4  }
0x129: {  	v45 =	vpack.i.f32.bf16 v50, v49;
	v56 =	vpack.i.f32.bf16 v56, v55;
	v58 =	vpack.i.f32.bf16 v58, v57  }
0x12a: {  	v60 =	vpack.i.f32.bf16 v60, v59;
	v44 =	vmax.bf16 v45, v46;
	v43 =	vmin.bf16 v45, v46  }
0x12b: {  	v45 =	vmax.bf16 v47, v56;
	v46 =	vmin.bf16 v47, v56;
	v47 =	vmax.bf16 v58, v60  }
0x12c: {  	s16 =	sadd.s32 $0x10, s16;
	v48 =	vmin.bf16 v58, v60;
	v49 =	vpack.i.f32.bf16 v62, v61;
	v50 =	vpack.i.f32.bf16 v1, v63  }
0x12d: {  	v0 =	vmax.bf16 v49, v50;
	v1 =	vmin.bf16 v49, v50;
	v2 =	vmax.bf16 v35, v39  }
0x12e: {  	v49 =	vmin.bf16 v36, v40;
	v50 =	vmax.bf16 v37, v41;
	v51 =	vmin.bf16 v38, v42  }
0x12f: {  	v52 =	vmax.bf16 v44, v45;
	v53 =	vmin.bf16 v43, v46;
	v57 =	vmin.bf16 v35, v39  }
0x130: {  	v58 =	vmax.bf16 v36, v40;
	v60 =	vmin.bf16 v37, v41;
	v61 =	vmax.bf16 v38, v42  }
0x131: {  	v62 =	vmin.bf16 v44, v45;
	v63 =	vmax.bf16 v43, v46;
	v54 =	vmax.bf16 v47, v0  }
0x132: {  	v59 =	vmin.bf16 v48, v1;
	v0 =	vmin.bf16 v47, v0;
	v1 =	vmax.bf16 v48, v1  }
0x133: {  	s16 =	simm.s32 $0x200;
	v2 =	vmax.bf16 v2, v51;
	v51 =	vmax.bf16 v49, v50;
	v56 =	vmax.bf16 v57, v58  }
0x134: {  	v35 =	vmin.bf16 v57, v58;
	v57 =	vmov s16;
	v58 =	vmax.bf16 v60, v61  }
0x135: {  	v37 =	vmin.bf16 v60, v61;
	v40 =	vmin.bf16 v62, v63;
	v61 =	vlaneseq.u32  }
0x136: {  	v39 =	vmax.bf16 v52, v59;
	v44 =	vmax.bf16 v53, v54;
	v36 =	vshll.u32 v57, $0x5  }
0x137: {  	v59 =	vmax.bf16 v62, v63;
	v60 =	vmax.bf16 v0, v1;
	v36 =	vor.u32 v3, v36  }
0x138: {  	v0 =	vmin.bf16 v0, v1;
	v1 =	vmax.bf16 v56, v37;
	v46 =	vor.u32 v61, v36  }
0x139: {  	v35 =	vmax.bf16 v35, v58;
	v0 =	vmax.bf16 v59, v0;
	v62 =	vor.u32 v4, v36  }
0x13a: {  	_ =	swait.ge [sflag:s12], $0x2000;
	v52 =	vmax.bf16 v2, v35;
	v2 =	vmin.bf16 v2, v35;
	v53 =	vor.u32 v6, v36  }
0x13b: {  	[sflag:s12] =	ssyncset.done $0x0;
	v40 =	vmax.bf16 v40, v60;
	v54 =	vmax.bf16 v1, v51;
	v55 =	vor.u32 v7, v36  }
0x13c: {  	[sflag:s12] =	ssyncadd.s32 $0xFFFFE000;
	v1 =	vmin.bf16 v1, v51;
	v63 =	vor.u32 v5, v36;
	v57 =	vor.u32 v8, v36  }
0x13d: {  	v56 =	vmax.bf16 v39, v40;
	v39 =	vmin.bf16 v39, v40;
	v59 =	vor.u32 v9, v36;
	v46 =	vld.idx.msk [tilespmem:v46+s2+$0x0], $0xffff  }
0x13e: {  	v58 =	vmax.bf16 v0, v44;
	v60 =	vmax.bf16 v52, v54;
	v41 =	vmin.bf16 v52, v54;
	v37 =	vld.idx.msk [tilespmem:v62+s2+$0x0], $0xffff  }
0x13f: {  	v54 =	vor.u32 v23, v36;
	v40 =	vmin.bf16 v56, v58;
	v62 =	vmax.bf16 v2, v1;
	v38 =	vld.idx.msk [tilespmem:v53+s2+$0x0], $0xffff  }
0x140: {  	v1 =	vmin.bf16 v2, v1;
	v2 =	vmax.bf16 v56, v58;
	v45 =	vld.idx.msk [tilespmem:v55+s2+$0x0], $0xffff;
	v56 =	vor.u32 v13, v36  }
0x141: {  	v42 =	vld.idx.msk [tilespmem:v57+s2+$0x0], $0xffff;
	v58 =	vor.u32 v14, v36  }
0x142: {  	v0 =	vmin.bf16 v0, v44;
	v61 =	vor.u32 v10, v36;
	v44 =	vld.idx.msk [tilespmem:v59+s2+$0x0], $0xffff  }
0x143: {  	[tilespmem:$0x1FF80] =	vst v46;
	v46 =	vld.idx.msk [tilespmem:v63+s2+$0x0], $0xffff;
	v63 =	vor.u32 v11, v36  }
0x144: {  	v35 =	vor.u32 v12, v36;
	v59 =	vor.u32 v15, v36;
	v54 =	vld.idx.msk [tilespmem:v54+s2+$0x0], $0xffff  }
0x145: {  	v53 =	vor.u32 v18, v36;
	v55 =	vor.u32 v19, v36;
	v40 =	vmax.bf16 v62, v40;
	v47 =	vld.idx.msk [tilespmem:v56+s2+$0x0], $0xffff  }
0x146: {  	[tilespmem:$0x1FF90] =	vst v37;
	v37 =	vmin.bf16 v39, v0;
	v0 =	vmax.bf16 v39, v0;
	v48 =	vld.idx.msk [tilespmem:v58+s2+$0x0], $0xffff  }
0x147: {  	v57 =	vmax.bf16 v60, v37;
	v0 =	vmax.bf16 v41, v0;
	v41 =	vld.idx.msk [tilespmem:v61+s2+$0x0], $0xffff;
	v60 =	vor.u32 v16, v36  }
0x148: {  	v1 =	vmax.bf16 v1, v2;
	v62 =	vor.u32 v17, v36;
	v2 =	vmax.bf16 v57, v40;
	v49 =	vld.idx.msk [tilespmem:v63+s2+$0x0], $0xffff  }
0x149: {  	v61 =	vmax.bf16 v0, v1;
	v39 =	vmin.bf16 v57, v40;
	v0 =	vmin.bf16 v0, v1;
	v63 =	vld [tilespmem:$0x1FFE0]  }
0x14a: {  	v43 =	vld.idx.msk [tilespmem:v59+s2+$0x0], $0xffff;
	v1 =	vmax.bf16 v2, v61;
	v2 =	vmin.bf16 v2, v61;
	v52 =	vmax.bf16 v39, v0  }
0x14b: {  	v53 =	vld.idx.msk [tilespmem:v53+s2+$0x0], $0xffff;
	v0 =	vmin.bf16 v39, v0;
	v61 =	vor.u32 v21, v36;
	v39 =	vunpack.i.u.bf16.f32 v1  }
0x14c: {  	v56 =	vunpack.i.u.bf16.f32 v2;
	v57 =	vunpack.i.l.bf16.f32 v0;
	v50 =	vld.idx.msk [tilespmem:v60+s2+$0x0], $0xffff;
	v60 =	vor.u32 v22, v36  }
0x14d: {  	v55 =	vld.idx.msk [tilespmem:v55+s2+$0x0], $0xffff;
	v1 =	vunpack.i.l.bf16.f32 v1;
	v59 =	vunpack.i.l.bf16.f32 v52;
	v0 =	vunpack.i.u.bf16.f32 v0  }
0x14e: {  	v40 =	vld.idx.msk [tilespmem:v35+s2+$0x0], $0xffff;
	v2 =	vunpack.i.l.bf16.f32 v2;
	v52 =	vunpack.i.u.bf16.f32 v52;
	v35 =	vor.u32 v63, v36  }
0x14f: {  	v58 =	vor.u32 v20, v36;
	v51 =	vld.idx.msk [tilespmem:v62+s2+$0x0], $0xffff;
	v0 =	vmax.f32 v1, v0;
	v2 =	vmax.f32 v2, v52  }
0x150: {  	v52 =	vmax.f32 v59, v56;
	v56 =	vor.u32 v24, v36;
	v59 =	vor.u32 v26, v36;
	v1 =	vld [tilespmem:$0x1FFF0]  }
0x151: {  	v39 =	vmax.f32 v57, v39;
	vm2 =	vlt.f32 v2, $-Inf;
	vm3 =	vgt.f32 v2, $-Inf;
	v2 =	vld.idx.msk [tilespmem:v60+s2+$0x0], $0xffff  }
0x152: {  	vm0 =	vlt.f32 v0, $-Inf;
	vm1 =	vgt.f32 v0, $-Inf;
	v60 =	vld.idx.msk [tilespmem:v61+s2+$0x0], $0xffff;
	v61 =	vor.u32 v27, v36  }
0x153: {  	vm12 =	vlt.f32 v52, $-Inf;
	vm13 =	vgt.f32 v52, $-Inf;
	v63 =	vor.u32 v28, v36;
	v37 =	vld.idx.msk [tilespmem:v35+s2+$0x0], $0xffff  }
0x154: {  	vm0 =	vmor vm1, vm0;
	vm11 =	vmor vm3, vm2;
	v35 =	vld.idx.msk [tilespmem:v58+s2+$0x0], $0xffff;
	v58 =	vor.u32 v25, v36  }
0x155: {  	v62 =	vsel vm0, $0x3F800000, v33;
	v0 =	vsel vm11, $0x3F800000, v33;
	v52 =	vld.idx.msk [tilespmem:v56+s2+$0x0], $0xffff;
	v56 =	vor.u32 v29, v36  }
0x156: {  	vm14 =	vlt.f32 v39, $-Inf;
	vm0 =	vmor vm13, vm12;
	v0 =	vadd.f32 v62, v0;
	v59 =	vld.idx.msk [tilespmem:v59+s2+$0x0], $0xffff  }
0x157: {  	vm15 =	vgt.f32 v39, $-Inf;
	v62 =	vsel vm0, $0x3F800000, v33;
	v39 =	vld.idx.msk [tilespmem:v61+s2+$0x0], $0xffff;
	v61 =	vor.u32 v32, v36  }
0x158: {  	vm0 =	vmor vm15, vm14;
	v0 =	vadd.f32 v0, v62;
	v62 =	vld.idx.msk [tilespmem:v63+s2+$0x0], $0xffff  }
0x159: {  	v63 =	vsel vm0, $0x3F800000, v33;
	v57 =	vld.idx.msk [tilespmem:v58+s2+$0x0], $0xffff;
	v58 =	vor.u32 v1, v36  }
0x15a: {  	v56 =	vld.idx.msk [tilespmem:v56+s2+$0x0], $0xffff;
	v0 =	vadd.f32 v0, v63;
	v1 =	vor.u32 v31, v36  }
0x15b: {  	v63 =	vld [tilespmem:$0x1FF90];
	v36 =	vor.u32 v30, v36  }
0x15c: {  	v34 =	vadd.f32 v0, v34;
	v0 =	vld.idx.msk [tilespmem:v61+s2+$0x0], $0xffff  }
0x15d: {  	v61 =	vld [tilespmem:$0x1FF80]  }
0x15e: {  	v42 =	vpack.i.f32.bf16 v42, v45;
	v38 =	vpack.i.f32.bf16 v38, v46;
	v45 =	vpack.i.f32.bf16 v48, v47;
	v58 =	vld.idx.msk [tilespmem:v58+s2+$0x0], $0xffff  }
0x15f: {  	v41 =	vpack.i.f32.bf16 v41, v44;
	v46 =	vpack.i.f32.bf16 v53, v51;
	v44 =	vpack.i.f32.bf16 v40, v49;
	v1 =	vld.idx.msk [tilespmem:v1+s2+$0x0], $0xffff  }
0x160: {  	v40 =	vmin.bf16 v42, v41;
	v43 =	vpack.i.f32.bf16 v50, v43;
	v48 =	vpack.i.f32.bf16 v54, v60;
	v36 =	vld.idx.msk [tilespmem:v36+s2+$0x0], $0xffff  }
0x161: {  	v47 =	vpack.i.f32.bf16 v55, v37;
	v2 =	vpack.i.f32.bf16 v2, v35;
	v37 =	vmax.bf16 v44, v45  }
0x162: {  	v60 =	vpack.i.f32.bf16 v39, v59;
	v39 =	vmax.bf16 v42, v41;
	v41 =	vmax.bf16 v43, v46  }
0x163: {  	v42 =	vmin.bf16 v43, v46;
	v43 =	vmin.bf16 v47, v2;
	v57 =	vpack.i.f32.bf16 v57, v52  }
0x164: {  	v61 =	vpack.i.f32.bf16 v63, v61;
	v63 =	vpack.i.f32.bf16 v56, v62;
	v46 =	vmin.bf16 v48, v57  }
0x165: {  	v35 =	vmax.bf16 v61, v38;
	v49 =	vpack.i.f32.bf16 v1, v58;
	v50 =	vpack.i.f32.bf16 v36, v0  }
0x166: {  	v36 =	vmin.bf16 v61, v38;
	v38 =	vmin.bf16 v44, v45;
	v44 =	vmax.bf16 v47, v2  }
0x167: {  	s16 =	simm.s32 $0x210;
	v45 =	vmax.bf16 v48, v57;
	v47 =	vmax.bf16 v60, v63;
	v48 =	vmin.bf16 v60, v63  }
.LBB2_6:
0x168: {  	v0 =	vmax.bf16 v49, v50;
	v1 =	vmin.bf16 v49, v50;
	v2 =	vmax.bf16 v35, v39  }
0x169: {  	v60 =	vmin.bf16 v36, v40;
	v61 =	vmax.bf16 v37, v41;
	v51 =	vmin.bf16 v38, v42  }
0x16a: {  	v52 =	vmax.bf16 v44, v45;
	v53 =	vmin.bf16 v43, v46;
	v62 =	vmin.bf16 v35, v39  }
0x16b: {  	v63 =	vmax.bf16 v36, v40;
	v56 =	vmin.bf16 v37, v41;
	v57 =	vmax.bf16 v38, v42  }
0x16c: {  	v58 =	vmin.bf16 v44, v45;
	v59 =	vmax.bf16 v43, v46;
	v54 =	vmax.bf16 v47, v0  }
0x16d: {  	v55 =	vmin.bf16 v48, v1;
	v0 =	vmin.bf16 v47, v0;
	v1 =	vmax.bf16 v48, v1  }
0x16e: {  	v2 =	vmax.bf16 v2, v51;
	v60 =	vmax.bf16 v60, v61;
	v61 =	vmax.bf16 v62, v63  }
0x16f: {  	v35 =	vmin.bf16 v62, v63;
	v63 =	vmax.bf16 v56, v57;
	v37 =	vmin.bf16 v56, v57  }
0x170: {  	v46 =	vmax.bf16 v58, v59;
	v40 =	vmin.bf16 v58, v59;
	v39 =	vmax.bf16 v52, v55  }
0x171: {  	v62 =	vmax.bf16 v53, v54;
	v47 =	vmax.bf16 v0, v1;
	v0 =	vmin.bf16 v0, v1  }
0x172: {  	v1 =	vmax.bf16 v61, v37;
	v35 =	vmax.bf16 v35, v63;
	v0 =	vmax.bf16 v46, v0  }
0x173: {  	v48 =	vmax.bf16 v2, v35;
	v2 =	vmin.bf16 v2, v35;
	v49 =	vmax.bf16 v40, v47  }
0x174: {  	v50 =	vmax.bf16 v1, v60;
	v1 =	vmin.bf16 v1, v60;
	v40 =	vmax.bf16 v39, v49  }
0x175: {  	v35 =	vmin.bf16 v39, v49;
	v51 =	vmax.bf16 v0, v62;
	v0 =	vmin.bf16 v0, v62  }
0x176: {  	v52 =	vmax.bf16 v48, v50;
	v37 =	vmin.bf16 v48, v50;
	v53 =	vmax.bf16 v2, v1  }
0x177: {  	v1 =	vmin.bf16 v2, v1;
	v2 =	vmax.bf16 v40, v51;
	v54 =	vmin.bf16 v35, v0  }
0x178: {  	v39 =	vmin.bf16 v40, v51;
	v0 =	vmax.bf16 v35, v0;
	v55 =	vmax.bf16 v52, v54  }
0x179: {  	v0 =	vmax.bf16 v37, v0;
	v56 =	vmax.bf16 v53, v39;
	v1 =	vmax.bf16 v1, v2  }
0x17a: {  	v57 =	vmax.bf16 v55, v56;
	v58 =	vmax.bf16 v0, v1  }
0x17b: {  	v35 =	vmin.bf16 v55, v56;
	v0 =	vmin.bf16 v0, v1;
	v1 =	vmax.bf16 v57, v58  }
0x17c: {  	v59 =	vmin.bf16 v57, v58;
	v60 =	vmax.bf16 v35, v0;
	v0 =	vmin.bf16 v35, v0  }
0x17d: {  	v61 =	vunpack.i.u.bf16.f32 v1;
	v38 =	vunpack.i.u.bf16.f32 v59;
	v62 =	vunpack.i.l.bf16.f32 v0  }
0x17e: {  	v1 =	vunpack.i.l.bf16.f32 v1;
	v63 =	vunpack.i.l.bf16.f32 v60;
	v0 =	vunpack.i.u.bf16.f32 v0  }
0x17f: {  	v36 =	vunpack.i.l.bf16.f32 v59;
	v37 =	vunpack.i.u.bf16.f32 v60;
	v0 =	vmax.f32 v1, v0  }
0x180: {  	v1 =	vmax.f32 v36, v37;
	v43 =	vmax.f32 v63, v38;
	vm0 =	vlt.f32 v0, $-Inf  }
0x181: {  	vm1 =	vgt.f32 v0, $-Inf;
	vm2 =	vlt.f32 v1, $-Inf;
	vm3 =	vgt.f32 v1, $-Inf  }
0x182: {  	vm12 =	vlt.f32 v43, $-Inf;
	vm0 =	vmor vm1, vm0;
	vm11 =	vmor vm3, vm2  }
0x183: {  	vm13 =	vgt.f32 v43, $-Inf;
	v0 =	vsel vm0, $0x3F800000, v33;
	v1 =	vsel vm11, $0x3F800000, v33  }
0x184: {  	v2 =	vmov s16;
	vm0 =	vmor vm13, vm12;
	v0 =	vadd.f32 v0, v1  }
0x185: {  	v44 =	vlaneseq.u32;
	v2 =	vshll.u32 v2, $0x5;
	v1 =	vsel vm0, $0x3F800000, v33  }
0x186: {  	v35 =	vmax.f32 v62, v61;
	v0 =	vadd.f32 v0, v1;
	v1 =	vor.u32 v3, v2  }
0x187: {  	vm14 =	vlt.f32 v35, $-Inf;
	vm15 =	vgt.f32 v35, $-Inf;
	v35 =	vor.u32 v44, v1  }
0x188: {  	v45 =	vor.u32 v5, v1  }
0x189: {  	v46 =	vor.u32 v7, v1  }
0x18a: {  	v47 =	vor.u32 v8, v1  }
0x18b: {  	v58 =	vld [tilespmem:$0x1FFE0];
	v48 =	vor.u32 v9, v1  }
0x18c: {  	v49 =	vor.u32 v10, v1;
	v35 =	vld.idx.msk [tilespmem:v35+s2+$0x0], $0xffff  }
0x18d: {  	v50 =	vor.u32 v11, v1;
	v36 =	vld.idx.msk [tilespmem:v45+s2+$0x0], $0xffff  }
0x18e: {  	v51 =	vor.u32 v12, v1;
	v37 =	vld.idx.msk [tilespmem:v46+s2+$0x0], $0xffff  }
0x18f: {  	v52 =	vor.u32 v13, v1;
	v38 =	vld.idx.msk [tilespmem:v47+s2+$0x0], $0xffff  }
0x190: {  	v53 =	vor.u32 v14, v1;
	v39 =	vld.idx.msk [tilespmem:v48+s2+$0x0], $0xffff  }
0x191: {  	v54 =	vor.u32 v15, v1;
	v40 =	vld.idx.msk [tilespmem:v49+s2+$0x0], $0xffff  }
0x192: {  	v55 =	vor.u32 v16, v1;
	v41 =	vld.idx.msk [tilespmem:v50+s2+$0x0], $0xffff  }
0x193: {  	v56 =	vor.u32 v17, v1;
	v42 =	vld.idx.msk [tilespmem:v51+s2+$0x0], $0xffff  }
0x194: {  	v57 =	vor.u32 v18, v1;
	v43 =	vld.idx.msk [tilespmem:v52+s2+$0x0], $0xffff  }
0x195: {  	v59 =	vor.u32 v19, v1;
	v44 =	vld.idx.msk [tilespmem:v53+s2+$0x0], $0xffff  }
0x196: {  	v60 =	vor.u32 v20, v1;
	v45 =	vld.idx.msk [tilespmem:v54+s2+$0x0], $0xffff  }
0x197: {  	v61 =	vor.u32 v22, v1;
	v46 =	vld.idx.msk [tilespmem:v55+s2+$0x0], $0xffff  }
0x198: {  	vm0 =	vmor vm15, vm14;
	v62 =	vor.u32 v21, v1;
	v47 =	vld.idx.msk [tilespmem:v56+s2+$0x0], $0xffff  }
0x199: {  	v2 =	vsel vm0, $0x3F800000, v33;
	v63 =	vor.u32 v23, v1;
	v48 =	vld.idx.msk [tilespmem:v57+s2+$0x0], $0xffff  }
0x19a: {  	v0 =	vadd.f32 v0, v2;
	v50 =	vld.idx.msk [tilespmem:v59+s2+$0x0], $0xffff  }
0x19b: {  	v2 =	vor.u32 v4, v1;
	v51 =	vld.idx.msk [tilespmem:v60+s2+$0x0], $0xffff  }
0x19c: {  	v34 =	vadd.f32 v0, v34;
	v0 =	vor.u32 v6, v1;
	v52 =	vld.idx.msk [tilespmem:v61+s2+$0x0], $0xffff  }
0x19d: {  	v49 =	vor.u32 v58, v1;
	v53 =	vld.idx.msk [tilespmem:v62+s2+$0x0], $0xffff  }
0x19e: {  	v55 =	vor.u32 v24, v1;
	v54 =	vld.idx.msk [tilespmem:v63+s2+$0x0], $0xffff  }
0x19f: {  	v56 =	vor.u32 v25, v1;
	v61 =	vld [tilespmem:$0x1FFF0]  }
0x1a0: {  	v57 =	vor.u32 v26, v1;
	v2 =	vld.idx.msk [tilespmem:v2+s2+$0x0], $0xffff  }
0x1a1: {  	v58 =	vor.u32 v27, v1;
	v0 =	vld.idx.msk [tilespmem:v0+s2+$0x0], $0xffff  }
0x1a2: {  	v59 =	vor.u32 v28, v1;
	v49 =	vld.idx.msk [tilespmem:v49+s2+$0x0], $0xffff  }
0x1a3: {  	v60 =	vor.u32 v29, v1;
	v55 =	vld.idx.msk [tilespmem:v55+s2+$0x0], $0xffff  }
0x1a4: {  	v62 =	vor.u32 v31, v1;
	v56 =	vld.idx.msk [tilespmem:v56+s2+$0x0], $0xffff  }
0x1a5: {  	v63 =	vor.u32 v32, v1;
	v57 =	vld.idx.msk [tilespmem:v57+s2+$0x0], $0xffff  }
0x1a6: {  	v61 =	vor.u32 v61, v1;
	v58 =	vld.idx.msk [tilespmem:v58+s2+$0x0], $0xffff  }
0x1a7: {  	v59 =	vld.idx.msk [tilespmem:v59+s2+$0x0], $0xffff;
	v1 =	vor.u32 v30, v1  }
0x1a8: {  	v60 =	vld.idx.msk [tilespmem:v60+s2+$0x0], $0xffff;
	v37 =	vpack.i.f32.bf16 v38, v37;
	v38 =	vpack.i.f32.bf16 v40, v39;
	v41 =	vpack.i.f32.bf16 v42, v41  }
0x1a9: {  	v62 =	vld.idx.msk [tilespmem:v62+s2+$0x0], $0xffff;
	v42 =	vpack.i.f32.bf16 v44, v43;
	v43 =	vpack.i.f32.bf16 v46, v45;
	v44 =	vpack.i.f32.bf16 v48, v47  }
0x1aa: {  	v63 =	vld.idx.msk [tilespmem:v63+s2+$0x0], $0xffff;
	v46 =	vpack.i.f32.bf16 v52, v51;
	v47 =	vpack.i.f32.bf16 v54, v53;
	v2 =	vpack.i.f32.bf16 v2, v35  }
0x1ab: {  	v39 =	vmax.bf16 v37, v38;
	v40 =	vmin.bf16 v37, v38;
	v37 =	vmax.bf16 v41, v42;
	v61 =	vld.idx.msk [tilespmem:v61+s2+$0x0], $0xffff  }
0x1ac: {  	p0 =	sne.s32 s16, $0x2F0;
	v38 =	vmin.bf16 v41, v42;
	v41 =	vmax.bf16 v43, v44;
	v0 =	vpack.i.f32.bf16 v0, v36;
	v1 =	vld.idx.msk [tilespmem:v1+s2+$0x0], $0xffff  }
.Ltmp2:
0x1ad: {  	v42 =	vmin.bf16 v43, v44;
	v35 =	vmax.bf16 v2, v0;
	v36 =	vmin.bf16 v2, v0;
	(pc) =	sbr.rel @p0 .LBB2_6-.Ltmp2, $4  }
0x1ae: {  	v45 =	vpack.i.f32.bf16 v50, v49;
	v56 =	vpack.i.f32.bf16 v56, v55;
	v58 =	vpack.i.f32.bf16 v58, v57  }
0x1af: {  	v60 =	vpack.i.f32.bf16 v60, v59;
	v44 =	vmax.bf16 v45, v46;
	v43 =	vmin.bf16 v45, v46  }
0x1b0: {  	v45 =	vmax.bf16 v47, v56;
	v46 =	vmin.bf16 v47, v56;
	v47 =	vmax.bf16 v58, v60  }
0x1b1: {  	s16 =	sadd.s32 $0x10, s16;
	v48 =	vmin.bf16 v58, v60;
	v49 =	vpack.i.f32.bf16 v62, v61;
	v50 =	vpack.i.f32.bf16 v1, v63  }
0x1b2: {  	v0 =	vmax.bf16 v49, v50;
	v1 =	vmin.bf16 v49, v50;
	v2 =	vmax.bf16 v35, v39  }
0x1b3: {  	v49 =	vmin.bf16 v36, v40;
	v50 =	vmax.bf16 v37, v41;
	v51 =	vmin.bf16 v38, v42  }
0x1b4: {  	v52 =	vmax.bf16 v44, v45;
	v53 =	vmin.bf16 v43, v46;
	v57 =	vmin.bf16 v35, v39  }
0x1b5: {  	v58 =	vmax.bf16 v36, v40;
	v60 =	vmin.bf16 v37, v41;
	v61 =	vmax.bf16 v38, v42  }
0x1b6: {  	v62 =	vmin.bf16 v44, v45;
	v63 =	vmax.bf16 v43, v46;
	v54 =	vmax.bf16 v47, v0  }
0x1b7: {  	v59 =	vmin.bf16 v48, v1;
	v0 =	vmin.bf16 v47, v0;
	v1 =	vmax.bf16 v48, v1  }
0x1b8: {  	s16 =	simm.s32 $0x300;
	v2 =	vmax.bf16 v2, v51;
	v51 =	vmax.bf16 v49, v50;
	v56 =	vmax.bf16 v57, v58  }
0x1b9: {  	v35 =	vmin.bf16 v57, v58;
	v57 =	vmov s16;
	v58 =	vmax.bf16 v60, v61  }
0x1ba: {  	v37 =	vmin.bf16 v60, v61;
	v40 =	vmin.bf16 v62, v63;
	v61 =	vlaneseq.u32  }
0x1bb: {  	v39 =	vmax.bf16 v52, v59;
	v44 =	vmax.bf16 v53, v54;
	v36 =	vshll.u32 v57, $0x5  }
0x1bc: {  	v59 =	vmax.bf16 v62, v63;
	v60 =	vmax.bf16 v0, v1;
	v36 =	vor.u32 v3, v36  }
0x1bd: {  	v0 =	vmin.bf16 v0, v1;
	v1 =	vmax.bf16 v56, v37;
	v46 =	vor.u32 v61, v36  }
0x1be: {  	v35 =	vmax.bf16 v35, v58;
	v0 =	vmax.bf16 v59, v0;
	v62 =	vor.u32 v4, v36  }
0x1bf: {  	_ =	swait.ge [sflag:s12], $0x2000;
	v52 =	vmax.bf16 v2, v35;
	v2 =	vmin.bf16 v2, v35;
	v53 =	vor.u32 v6, v36  }
0x1c0: {  	[sflag:s12] =	ssyncset.done $0x0;
	v40 =	vmax.bf16 v40, v60;
	v54 =	vmax.bf16 v1, v51;
	v55 =	vor.u32 v7, v36  }
0x1c1: {  	[sflag:s12] =	ssyncadd.s32 $0xFFFFE000;
	v1 =	vmin.bf16 v1, v51;
	v63 =	vor.u32 v5, v36;
	v57 =	vor.u32 v8, v36  }
0x1c2: {  	v56 =	vmax.bf16 v39, v40;
	v39 =	vmin.bf16 v39, v40;
	v59 =	vor.u32 v9, v36;
	v46 =	vld.idx.msk [tilespmem:v46+s2+$0x0], $0xffff  }
0x1c3: {  	v58 =	vmax.bf16 v0, v44;
	v60 =	vmax.bf16 v52, v54;
	v41 =	vmin.bf16 v52, v54;
	v37 =	vld.idx.msk [tilespmem:v62+s2+$0x0], $0xffff  }
0x1c4: {  	v54 =	vor.u32 v23, v36;
	v40 =	vmin.bf16 v56, v58;
	v62 =	vmax.bf16 v2, v1;
	v38 =	vld.idx.msk [tilespmem:v53+s2+$0x0], $0xffff  }
0x1c5: {  	v1 =	vmin.bf16 v2, v1;
	v2 =	vmax.bf16 v56, v58;
	v45 =	vld.idx.msk [tilespmem:v55+s2+$0x0], $0xffff;
	v56 =	vor.u32 v13, v36  }
0x1c6: {  	v42 =	vld.idx.msk [tilespmem:v57+s2+$0x0], $0xffff;
	v58 =	vor.u32 v14, v36  }
0x1c7: {  	v0 =	vmin.bf16 v0, v44;
	v61 =	vor.u32 v10, v36;
	v44 =	vld.idx.msk [tilespmem:v59+s2+$0x0], $0xffff  }
0x1c8: {  	[tilespmem:$0x1FF60] =	vst v46;
	v46 =	vld.idx.msk [tilespmem:v63+s2+$0x0], $0xffff;
	v63 =	vor.u32 v11, v36  }
0x1c9: {  	v35 =	vor.u32 v12, v36;
	v59 =	vor.u32 v15, v36;
	v54 =	vld.idx.msk [tilespmem:v54+s2+$0x0], $0xffff  }
0x1ca: {  	v53 =	vor.u32 v18, v36;
	v55 =	vor.u32 v19, v36;
	v40 =	vmax.bf16 v62, v40;
	v47 =	vld.idx.msk [tilespmem:v56+s2+$0x0], $0xffff  }
0x1cb: {  	[tilespmem:$0x1FF70] =	vst v37;
	v37 =	vmin.bf16 v39, v0;
	v0 =	vmax.bf16 v39, v0;
	v48 =	vld.idx.msk [tilespmem:v58+s2+$0x0], $0xffff  }
0x1cc: {  	v57 =	vmax.bf16 v60, v37;
	v0 =	vmax.bf16 v41, v0;
	v41 =	vld.idx.msk [tilespmem:v61+s2+$0x0], $0xffff;
	v60 =	vor.u32 v16, v36  }
0x1cd: {  	v1 =	vmax.bf16 v1, v2;
	v62 =	vor.u32 v17, v36;
	v2 =	vmax.bf16 v57, v40;
	v49 =	vld.idx.msk [tilespmem:v63+s2+$0x0], $0xffff  }
0x1ce: {  	v61 =	vmax.bf16 v0, v1;
	v39 =	vmin.bf16 v57, v40;
	v0 =	vmin.bf16 v0, v1;
	v63 =	vld [tilespmem:$0x1FFE0]  }
0x1cf: {  	v43 =	vld.idx.msk [tilespmem:v59+s2+$0x0], $0xffff;
	v1 =	vmax.bf16 v2, v61;
	v2 =	vmin.bf16 v2, v61;
	v52 =	vmax.bf16 v39, v0  }
0x1d0: {  	v53 =	vld.idx.msk [tilespmem:v53+s2+$0x0], $0xffff;
	v0 =	vmin.bf16 v39, v0;
	v61 =	vor.u32 v21, v36;
	v39 =	vunpack.i.u.bf16.f32 v1  }
0x1d1: {  	v56 =	vunpack.i.u.bf16.f32 v2;
	v57 =	vunpack.i.l.bf16.f32 v0;
	v50 =	vld.idx.msk [tilespmem:v60+s2+$0x0], $0xffff;
	v60 =	vor.u32 v22, v36  }
0x1d2: {  	v55 =	vld.idx.msk [tilespmem:v55+s2+$0x0], $0xffff;
	v1 =	vunpack.i.l.bf16.f32 v1;
	v59 =	vunpack.i.l.bf16.f32 v52;
	v0 =	vunpack.i.u.bf16.f32 v0  }
0x1d3: {  	v40 =	vld.idx.msk [tilespmem:v35+s2+$0x0], $0xffff;
	v2 =	vunpack.i.l.bf16.f32 v2;
	v52 =	vunpack.i.u.bf16.f32 v52;
	v35 =	vor.u32 v63, v36  }
0x1d4: {  	v58 =	vor.u32 v20, v36;
	v51 =	vld.idx.msk [tilespmem:v62+s2+$0x0], $0xffff;
	v0 =	vmax.f32 v1, v0;
	v2 =	vmax.f32 v2, v52  }
0x1d5: {  	v52 =	vmax.f32 v59, v56;
	v56 =	vor.u32 v24, v36;
	v59 =	vor.u32 v26, v36;
	v1 =	vld [tilespmem:$0x1FFF0]  }
0x1d6: {  	v39 =	vmax.f32 v57, v39;
	vm2 =	vlt.f32 v2, $-Inf;
	vm3 =	vgt.f32 v2, $-Inf;
	v2 =	vld.idx.msk [tilespmem:v60+s2+$0x0], $0xffff  }
0x1d7: {  	vm0 =	vlt.f32 v0, $-Inf;
	vm1 =	vgt.f32 v0, $-Inf;
	v60 =	vld.idx.msk [tilespmem:v61+s2+$0x0], $0xffff;
	v61 =	vor.u32 v27, v36  }
0x1d8: {  	vm12 =	vlt.f32 v52, $-Inf;
	vm13 =	vgt.f32 v52, $-Inf;
	v63 =	vor.u32 v28, v36;
	v37 =	vld.idx.msk [tilespmem:v35+s2+$0x0], $0xffff  }
0x1d9: {  	vm0 =	vmor vm1, vm0;
	vm11 =	vmor vm3, vm2;
	v35 =	vld.idx.msk [tilespmem:v58+s2+$0x0], $0xffff;
	v58 =	vor.u32 v25, v36  }
0x1da: {  	v62 =	vsel vm0, $0x3F800000, v33;
	v0 =	vsel vm11, $0x3F800000, v33;
	v52 =	vld.idx.msk [tilespmem:v56+s2+$0x0], $0xffff;
	v56 =	vor.u32 v29, v36  }
0x1db: {  	vm14 =	vlt.f32 v39, $-Inf;
	vm0 =	vmor vm13, vm12;
	v0 =	vadd.f32 v62, v0;
	v59 =	vld.idx.msk [tilespmem:v59+s2+$0x0], $0xffff  }
0x1dc: {  	vm15 =	vgt.f32 v39, $-Inf;
	v62 =	vsel vm0, $0x3F800000, v33;
	v39 =	vld.idx.msk [tilespmem:v61+s2+$0x0], $0xffff;
	v61 =	vor.u32 v32, v36  }
0x1dd: {  	vm0 =	vmor vm15, vm14;
	v0 =	vadd.f32 v0, v62;
	v62 =	vld.idx.msk [tilespmem:v63+s2+$0x0], $0xffff  }
0x1de: {  	v63 =	vsel vm0, $0x3F800000, v33;
	v57 =	vld.idx.msk [tilespmem:v58+s2+$0x0], $0xffff;
	v58 =	vor.u32 v1, v36  }
0x1df: {  	v56 =	vld.idx.msk [tilespmem:v56+s2+$0x0], $0xffff;
	v0 =	vadd.f32 v0, v63;
	v1 =	vor.u32 v31, v36  }
0x1e0: {  	v63 =	vld [tilespmem:$0x1FF70];
	v36 =	vor.u32 v30, v36  }
0x1e1: {  	v34 =	vadd.f32 v0, v34;
	v0 =	vld.idx.msk [tilespmem:v61+s2+$0x0], $0xffff  }
0x1e2: {  	v61 =	vld [tilespmem:$0x1FF60]  }
0x1e3: {  	v42 =	vpack.i.f32.bf16 v42, v45;
	v38 =	vpack.i.f32.bf16 v38, v46;
	v45 =	vpack.i.f32.bf16 v48, v47;
	v58 =	vld.idx.msk [tilespmem:v58+s2+$0x0], $0xffff  }
0x1e4: {  	v41 =	vpack.i.f32.bf16 v41, v44;
	v46 =	vpack.i.f32.bf16 v53, v51;
	v44 =	vpack.i.f32.bf16 v40, v49;
	v1 =	vld.idx.msk [tilespmem:v1+s2+$0x0], $0xffff  }
0x1e5: {  	v40 =	vmin.bf16 v42, v41;
	v43 =	vpack.i.f32.bf16 v50, v43;
	v48 =	vpack.i.f32.bf16 v54, v60;
	v36 =	vld.idx.msk [tilespmem:v36+s2+$0x0], $0xffff  }
0x1e6: {  	v47 =	vpack.i.f32.bf16 v55, v37;
	v2 =	vpack.i.f32.bf16 v2, v35;
	v37 =	vmax.bf16 v44, v45  }
0x1e7: {  	v60 =	vpack.i.f32.bf16 v39, v59;
	v39 =	vmax.bf16 v42, v41;
	v41 =	vmax.bf16 v43, v46  }
0x1e8: {  	v42 =	vmin.bf16 v43, v46;
	v43 =	vmin.bf16 v47, v2;
	v57 =	vpack.i.f32.bf16 v57, v52  }
0x1e9: {  	v61 =	vpack.i.f32.bf16 v63, v61;
	v63 =	vpack.i.f32.bf16 v56, v62;
	v46 =	vmin.bf16 v48, v57  }
0x1ea: {  	v35 =	vmax.bf16 v61, v38;
	v49 =	vpack.i.f32.bf16 v1, v58;
	v50 =	vpack.i.f32.bf16 v36, v0  }
0x1eb: {  	v36 =	vmin.bf16 v61, v38;
	v38 =	vmin.bf16 v44, v45;
	v44 =	vmax.bf16 v47, v2  }
0x1ec: {  	s16 =	simm.s32 $0x310;
	v45 =	vmax.bf16 v48, v57;
	v47 =	vmax.bf16 v60, v63;
	v48 =	vmin.bf16 v60, v63  }
.LBB2_8:
0x1ed: {  	v0 =	vmax.bf16 v49, v50;
	v1 =	vmin.bf16 v49, v50;
	v2 =	vmax.bf16 v35, v39  }
0x1ee: {  	v60 =	vmin.bf16 v36, v40;
	v61 =	vmax.bf16 v37, v41;
	v51 =	vmin.bf16 v38, v42  }
0x1ef: {  	v52 =	vmax.bf16 v44, v45;
	v53 =	vmin.bf16 v43, v46;
	v62 =	vmin.bf16 v35, v39  }
0x1f0: {  	v63 =	vmax.bf16 v36, v40;
	v56 =	vmin.bf16 v37, v41;
	v57 =	vmax.bf16 v38, v42  }
0x1f1: {  	v58 =	vmin.bf16 v44, v45;
	v59 =	vmax.bf16 v43, v46;
	v54 =	vmax.bf16 v47, v0  }
0x1f2: {  	v55 =	vmin.bf16 v48, v1;
	v0 =	vmin.bf16 v47, v0;
	v1 =	vmax.bf16 v48, v1  }
0x1f3: {  	v2 =	vmax.bf16 v2, v51;
	v60 =	vmax.bf16 v60, v61;
	v61 =	vmax.bf16 v62, v63  }
0x1f4: {  	v35 =	vmin.bf16 v62, v63;
	v63 =	vmax.bf16 v56, v57;
	v37 =	vmin.bf16 v56, v57  }
0x1f5: {  	v46 =	vmax.bf16 v58, v59;
	v40 =	vmin.bf16 v58, v59;
	v39 =	vmax.bf16 v52, v55  }
0x1f6: {  	v62 =	vmax.bf16 v53, v54;
	v47 =	vmax.bf16 v0, v1;
	v0 =	vmin.bf16 v0, v1  }
0x1f7: {  	v1 =	vmax.bf16 v61, v37;
	v35 =	vmax.bf16 v35, v63;
	v0 =	vmax.bf16 v46, v0  }
0x1f8: {  	v48 =	vmax.bf16 v2, v35;
	v2 =	vmin.bf16 v2, v35;
	v49 =	vmax.bf16 v40, v47  }
0x1f9: {  	v50 =	vmax.bf16 v1, v60;
	v1 =	vmin.bf16 v1, v60;
	v40 =	vmax.bf16 v39, v49  }
0x1fa: {  	v35 =	vmin.bf16 v39, v49;
	v51 =	vmax.bf16 v0, v62;
	v0 =	vmin.bf16 v0, v62  }
0x1fb: {  	v52 =	vmax.bf16 v48, v50;
	v37 =	vmin.bf16 v48, v50;
	v53 =	vmax.bf16 v2, v1  }
0x1fc: {  	v1 =	vmin.bf16 v2, v1;
	v2 =	vmax.bf16 v40, v51;
	v54 =	vmin.bf16 v35, v0  }
0x1fd: {  	v39 =	vmin.bf16 v40, v51;
	v0 =	vmax.bf16 v35, v0;
	v55 =	vmax.bf16 v52, v54  }
0x1fe: {  	v0 =	vmax.bf16 v37, v0;
	v56 =	vmax.bf16 v53, v39;
	v1 =	vmax.bf16 v1, v2  }
0x1ff: {  	v57 =	vmax.bf16 v55, v56;
	v58 =	vmax.bf16 v0, v1  }
0x200: {  	v35 =	vmin.bf16 v55, v56;
	v0 =	vmin.bf16 v0, v1;
	v1 =	vmax.bf16 v57, v58  }
0x201: {  	v59 =	vmin.bf16 v57, v58;
	v60 =	vmax.bf16 v35, v0;
	v0 =	vmin.bf16 v35, v0  }
0x202: {  	v61 =	vunpack.i.u.bf16.f32 v1;
	v38 =	vunpack.i.u.bf16.f32 v59;
	v62 =	vunpack.i.l.bf16.f32 v0  }
0x203: {  	v1 =	vunpack.i.l.bf16.f32 v1;
	v63 =	vunpack.i.l.bf16.f32 v60;
	v0 =	vunpack.i.u.bf16.f32 v0  }
0x204: {  	v36 =	vunpack.i.l.bf16.f32 v59;
	v37 =	vunpack.i.u.bf16.f32 v60;
	v0 =	vmax.f32 v1, v0  }
0x205: {  	v1 =	vmax.f32 v36, v37;
	v43 =	vmax.f32 v63, v38;
	vm0 =	vlt.f32 v0, $-Inf  }
0x206: {  	vm1 =	vgt.f32 v0, $-Inf;
	vm2 =	vlt.f32 v1, $-Inf;
	vm3 =	vgt.f32 v1, $-Inf  }
0x207: {  	vm12 =	vlt.f32 v43, $-Inf;
	vm0 =	vmor vm1, vm0;
	vm11 =	vmor vm3, vm2  }
0x208: {  	vm13 =	vgt.f32 v43, $-Inf;
	v0 =	vsel vm0, $0x3F800000, v33;
	v1 =	vsel vm11, $0x3F800000, v33  }
0x209: {  	v2 =	vmov s16;
	vm0 =	vmor vm13, vm12;
	v0 =	vadd.f32 v0, v1  }
0x20a: {  	v44 =	vlaneseq.u32;
	v2 =	vshll.u32 v2, $0x5;
	v1 =	vsel vm0, $0x3F800000, v33  }
0x20b: {  	v35 =	vmax.f32 v62, v61;
	v0 =	vadd.f32 v0, v1;
	v1 =	vor.u32 v3, v2  }
0x20c: {  	vm14 =	vlt.f32 v35, $-Inf;
	vm15 =	vgt.f32 v35, $-Inf;
	v35 =	vor.u32 v44, v1  }
0x20d: {  	v45 =	vor.u32 v5, v1  }
0x20e: {  	v46 =	vor.u32 v7, v1  }
0x20f: {  	v47 =	vor.u32 v8, v1  }
0x210: {  	v58 =	vld [tilespmem:$0x1FFE0];
	v48 =	vor.u32 v9, v1  }
0x211: {  	v49 =	vor.u32 v10, v1;
	v35 =	vld.idx.msk [tilespmem:v35+s2+$0x0], $0xffff  }
0x212: {  	v50 =	vor.u32 v11, v1;
	v36 =	vld.idx.msk [tilespmem:v45+s2+$0x0], $0xffff  }
0x213: {  	v51 =	vor.u32 v12, v1;
	v37 =	vld.idx.msk [tilespmem:v46+s2+$0x0], $0xffff  }
0x214: {  	v52 =	vor.u32 v13, v1;
	v38 =	vld.idx.msk [tilespmem:v47+s2+$0x0], $0xffff  }
0x215: {  	v53 =	vor.u32 v14, v1;
	v39 =	vld.idx.msk [tilespmem:v48+s2+$0x0], $0xffff  }
0x216: {  	v54 =	vor.u32 v15, v1;
	v40 =	vld.idx.msk [tilespmem:v49+s2+$0x0], $0xffff  }
0x217: {  	v55 =	vor.u32 v16, v1;
	v41 =	vld.idx.msk [tilespmem:v50+s2+$0x0], $0xffff  }
0x218: {  	v56 =	vor.u32 v17, v1;
	v42 =	vld.idx.msk [tilespmem:v51+s2+$0x0], $0xffff  }
0x219: {  	v57 =	vor.u32 v18, v1;
	v43 =	vld.idx.msk [tilespmem:v52+s2+$0x0], $0xffff  }
0x21a: {  	v59 =	vor.u32 v19, v1;
	v44 =	vld.idx.msk [tilespmem:v53+s2+$0x0], $0xffff  }
0x21b: {  	v60 =	vor.u32 v20, v1;
	v45 =	vld.idx.msk [tilespmem:v54+s2+$0x0], $0xffff  }
0x21c: {  	v61 =	vor.u32 v22, v1;
	v46 =	vld.idx.msk [tilespmem:v55+s2+$0x0], $0xffff  }
0x21d: {  	vm0 =	vmor vm15, vm14;
	v62 =	vor.u32 v21, v1;
	v47 =	vld.idx.msk [tilespmem:v56+s2+$0x0], $0xffff  }
0x21e: {  	v2 =	vsel vm0, $0x3F800000, v33;
	v63 =	vor.u32 v23, v1;
	v48 =	vld.idx.msk [tilespmem:v57+s2+$0x0], $0xffff  }
0x21f: {  	v0 =	vadd.f32 v0, v2;
	v50 =	vld.idx.msk [tilespmem:v59+s2+$0x0], $0xffff  }
0x220: {  	v2 =	vor.u32 v4, v1;
	v51 =	vld.idx.msk [tilespmem:v60+s2+$0x0], $0xffff  }
0x221: {  	v34 =	vadd.f32 v0, v34;
	v0 =	vor.u32 v6, v1;
	v52 =	vld.idx.msk [tilespmem:v61+s2+$0x0], $0xffff  }
0x222: {  	v49 =	vor.u32 v58, v1;
	v53 =	vld.idx.msk [tilespmem:v62+s2+$0x0], $0xffff  }
0x223: {  	v55 =	vor.u32 v24, v1;
	v54 =	vld.idx.msk [tilespmem:v63+s2+$0x0], $0xffff  }
0x224: {  	v56 =	vor.u32 v25, v1;
	v61 =	vld [tilespmem:$0x1FFF0]  }
0x225: {  	v57 =	vor.u32 v26, v1;
	v2 =	vld.idx.msk [tilespmem:v2+s2+$0x0], $0xffff  }
0x226: {  	v58 =	vor.u32 v27, v1;
	v0 =	vld.idx.msk [tilespmem:v0+s2+$0x0], $0xffff  }
0x227: {  	v59 =	vor.u32 v28, v1;
	v49 =	vld.idx.msk [tilespmem:v49+s2+$0x0], $0xffff  }
0x228: {  	v60 =	vor.u32 v29, v1;
	v55 =	vld.idx.msk [tilespmem:v55+s2+$0x0], $0xffff  }
0x229: {  	v62 =	vor.u32 v31, v1;
	v56 =	vld.idx.msk [tilespmem:v56+s2+$0x0], $0xffff  }
0x22a: {  	v63 =	vor.u32 v32, v1;
	v57 =	vld.idx.msk [tilespmem:v57+s2+$0x0], $0xffff  }
0x22b: {  	v61 =	vor.u32 v61, v1;
	v58 =	vld.idx.msk [tilespmem:v58+s2+$0x0], $0xffff  }
0x22c: {  	v59 =	vld.idx.msk [tilespmem:v59+s2+$0x0], $0xffff;
	v1 =	vor.u32 v30, v1  }
0x22d: {  	v60 =	vld.idx.msk [tilespmem:v60+s2+$0x0], $0xffff;
	v37 =	vpack.i.f32.bf16 v38, v37;
	v38 =	vpack.i.f32.bf16 v40, v39;
	v41 =	vpack.i.f32.bf16 v42, v41  }
0x22e: {  	v62 =	vld.idx.msk [tilespmem:v62+s2+$0x0], $0xffff;
	v42 =	vpack.i.f32.bf16 v44, v43;
	v43 =	vpack.i.f32.bf16 v46, v45;
	v44 =	vpack.i.f32.bf16 v48, v47  }
0x22f: {  	v63 =	vld.idx.msk [tilespmem:v63+s2+$0x0], $0xffff;
	v46 =	vpack.i.f32.bf16 v52, v51;
	v47 =	vpack.i.f32.bf16 v54, v53;
	v2 =	vpack.i.f32.bf16 v2, v35  }
0x230: {  	v39 =	vmax.bf16 v37, v38;
	v40 =	vmin.bf16 v37, v38;
	v37 =	vmax.bf16 v41, v42;
	v61 =	vld.idx.msk [tilespmem:v61+s2+$0x0], $0xffff  }
0x231: {  	p0 =	sne.s32 s16, $0x3F0;
	v38 =	vmin.bf16 v41, v42;
	v41 =	vmax.bf16 v43, v44;
	v0 =	vpack.i.f32.bf16 v0, v36;
	v1 =	vld.idx.msk [tilespmem:v1+s2+$0x0], $0xffff  }
.Ltmp3:
0x232: {  	v42 =	vmin.bf16 v43, v44;
	v35 =	vmax.bf16 v2, v0;
	v36 =	vmin.bf16 v2, v0;
	(pc) =	sbr.rel @p0 .LBB2_8-.Ltmp3, $4  }
0x233: {  	v45 =	vpack.i.f32.bf16 v50, v49;
	v56 =	vpack.i.f32.bf16 v56, v55;
	v58 =	vpack.i.f32.bf16 v58, v57  }
0x234: {  	v60 =	vpack.i.f32.bf16 v60, v59;
	v44 =	vmax.bf16 v45, v46;
	v43 =	vmin.bf16 v45, v46  }
0x235: {  	v45 =	vmax.bf16 v47, v56;
	v46 =	vmin.bf16 v47, v56;
	v47 =	vmax.bf16 v58, v60  }
0x236: {  	s16 =	sadd.s32 $0x10, s16;
	v48 =	vmin.bf16 v58, v60;
	v49 =	vpack.i.f32.bf16 v62, v61;
	v50 =	vpack.i.f32.bf16 v1, v63  }
0x237: {  	v0 =	vmax.bf16 v49, v50;
	v1 =	vmin.bf16 v49, v50;
	v2 =	vmax.bf16 v35, v39  }
0x238: {  	v62 =	vmin.bf16 v36, v40;
	v63 =	vmax.bf16 v37, v41;
	v51 =	vmin.bf16 v38, v42  }
0x239: {  	v52 =	vmax.bf16 v44, v45;
	v53 =	vmin.bf16 v43, v46;
	v55 =	vmin.bf16 v35, v39  }
0x23a: {  	v56 =	vmax.bf16 v36, v40;
	v58 =	vmin.bf16 v37, v41;
	v59 =	vmax.bf16 v38, v42  }
0x23b: {  	v60 =	vmin.bf16 v44, v45;
	v61 =	vmax.bf16 v43, v46;
	v54 =	vmax.bf16 v47, v0  }
0x23c: {  	v57 =	vmin.bf16 v48, v1;
	v0 =	vmin.bf16 v47, v0;
	v1 =	vmax.bf16 v48, v1  }
0x23d: {  	v2 =	vmax.bf16 v2, v51;
	v62 =	vmax.bf16 v62, v63;
	v63 =	vmax.bf16 v55, v56  }
0x23e: {  	v35 =	vmin.bf16 v55, v56;
	v49 =	vmax.bf16 v58, v59;
	v37 =	vmin.bf16 v58, v59  }
0x23f: {  	v50 =	vmax.bf16 v60, v61;
	v40 =	vmin.bf16 v60, v61;
	v39 =	vmax.bf16 v52, v57  }
0x240: {  	v48 =	vmax.bf16 v53, v54;
	v51 =	vmax.bf16 v0, v1;
	v0 =	vmin.bf16 v0, v1  }
0x241: {  	v1 =	vmax.bf16 v63, v37;
	v35 =	vmax.bf16 v35, v49;
	v0 =	vmax.bf16 v50, v0  }
0x242: {  	v52 =	vmax.bf16 v2, v35;
	v2 =	vmin.bf16 v2, v35;
	v53 =	vmax.bf16 v40, v51  }
0x243: {  	v54 =	vmax.bf16 v1, v62;
	v1 =	vmin.bf16 v1, v62;
	v40 =	vmax.bf16 v39, v53  }
0x244: {  	v35 =	vmin.bf16 v39, v53;
	v55 =	vmax.bf16 v0, v48;
	v0 =	vmin.bf16 v0, v48  }
0x245: {  	v56 =	vmax.bf16 v52, v54;
	v37 =	vmin.bf16 v52, v54;
	v57 =	vmax.bf16 v2, v1  }
0x246: {  	v1 =	vmin.bf16 v2, v1;
	v2 =	vmax.bf16 v40, v55;
	v58 =	vmin.bf16 v35, v0  }
0x247: {  	v39 =	vmin.bf16 v40, v55;
	v0 =	vmax.bf16 v35, v0;
	v59 =	vmax.bf16 v56, v58  }
0x248: {  	v0 =	vmax.bf16 v37, v0;
	v60 =	vmax.bf16 v57, v39;
	v1 =	vmax.bf16 v1, v2  }
0x249: {  	v2 =	vmax.bf16 v59, v60;
	v37 =	vmax.bf16 v0, v1  }
0x24a: {  	v35 =	vmin.bf16 v59, v60;
	v0 =	vmin.bf16 v0, v1;
	v1 =	vmax.bf16 v2, v37  }
0x24b: {  	v2 =	vmin.bf16 v2, v37;
	v36 =	vmax.bf16 v35, v0;
	v0 =	vmin.bf16 v35, v0  }
0x24c: {  	v61 =	vunpack.i.u.bf16.f32 v1;
	v37 =	vunpack.i.u.bf16.f32 v2;
	v62 =	vunpack.i.l.bf16.f32 v0  }
0x24d: {  	v1 =	vunpack.i.l.bf16.f32 v1;
	v63 =	vunpack.i.l.bf16.f32 v36;
	v0 =	vunpack.i.u.bf16.f32 v0  }
0x24e: {  	v2 =	vunpack.i.l.bf16.f32 v2;
	v36 =	vunpack.i.u.bf16.f32 v36;
	v0 =	vmax.f32 v1, v0  }
0x24f: {  	v1 =	vmax.f32 v2, v36;
	v2 =	vmax.f32 v63, v37;
	vm0 =	vlt.f32 v0, $-Inf  }
0x250: {  	vm1 =	vgt.f32 v0, $-Inf;
	vm2 =	vlt.f32 v1, $-Inf;
	vm3 =	vgt.f32 v1, $-Inf  }
0x251: {  	vm12 =	vlt.f32 v2, $-Inf;
	vm0 =	vmor vm1, vm0;
	vm11 =	vmor vm3, vm2  }
0x252: {  	vm13 =	vgt.f32 v2, $-Inf;
	v0 =	vsel vm0, $0x3F800000, v33;
	v1 =	vsel vm11, $0x3F800000, v33  }
0x253: {  	v2 =	vmax.f32 v62, v61;
	vm0 =	vmor vm13, vm12;
	v0 =	vadd.f32 v0, v1  }
0x254: {  	vm14 =	vlt.f32 v2, $-Inf;
	vm15 =	vgt.f32 v2, $-Inf;
	v1 =	vsel vm0, $0x3F800000, v33  }
0x255: {  	vm0 =	vmor vm15, vm14;
	v0 =	vadd.f32 v0, v1  }
0x256: {  	v1 =	vsel vm0, $0x3F800000, v33  }
0x257: {  	v0 =	vadd.f32 v0, v1;
	_ =	sdelay $0x1  }
0x258: {  	s15 =	sadd.s32 $0x1, s15;
	v0 =	vadd.f32 v0, v34  }
0x259: {  	p0 =	sne.s32 s15, s8  }
.Ltmp4:
0x25a: {  	[tilespmem:$0x8000] =	vst v0;
	(pc) =	sbr.rel @p0 .LBB2_1-.Ltmp4, $4  }
0x25b: {  	v48 =	vmov v16;
	v16 =	vmov v18;
	[hbm4b:s7+s2] =	stream.linear.scatter [tilespmem:s13], [sflag:$0x2], $0x10, $0x38;
	[tilespmem:$0x8010] =	vst v63  }
0x25c: {  	v18 =	vmovc v20;
	v20 =	vmovc v22;
	v22 =	vmov v24;
	v24 =	vmov v26;
	v26 =	vmov v28;
	_ =	swait.ge [sflag:s14], $0x10  }
0x25d: {  	v2 =	vmovc v17;
	v17 =	vmovc v19;
	v19 =	vmov v21;
	v21 =	vmov v23;
	v23 =	vmov v25;
	[sflag:s14] =	ssyncset.done $0x0;
	v28 =	vld [tilespmem:$0x1FFF0]  }
0x25e: {  	v25 =	vmovc v27;
	v27 =	vmovc v29;
	v29 =	vmov v31;
	v31 =	vmov v32;
	v0 =	vlaneseq.u32;
	v1 =	vld [tilespmem:$0x1FFE0];
	[sflag:s14] =	ssyncadd.s32 $0xFFFFFFF0  }
0x25f: {  	_ =	sfence.sel $0x180000  }
0x260: {  	[bflag:$0x0] =	sbarrier.arrive $0xFFFF  }
0x261: {  	p0 =	sne.s32 s1, $0x0;
	_ =	strace $0x90000047  }
0x262: {  	s0 =	sadd.s32 @!p0 $0x100000, s0;
	[bflag:$0x2] =	sbarrier.arrive $0xFFFF  }
0x263: {  	[sflag:s0] =	ssyncadd.tile.s32 @!p0 $0x1;
	_ =	shalt  }
.Lfunc_end2:
_tile_overlayer_lowered:
.L_overlay_start_2:
0x264: {  	(tag) =	ssettag $0x2  }
0x265: {  	s0 =	rddreg [dreg:$0x0];
	s2 =	stileid.u32  }
0x266: {  	s1 =	rddreg [dreg:$0x1];
	p0 =	sne.s32 s2, $0x0  }
0x267: {  	s3 =	rddreg [dreg:$0x2];
	[bflag:$0x3] =	sbarrier.arrive $0xFFFF;
	s2 =	simm.s32 @!p0 $0x1C02  }
0x268: {  	[timem:s3], [sflag:s2] =	dma.local @!p0 [hbm:s0], s1  }
0x269: {  	s0 =	simm.s32 @!p0 $0x2  }
0x26a: {  	_ =	swait.ge @!p0 [sflag:s0], s1  }
0x26b: {  	s1 =	ssub.s32 @!p0 $0x0, s1;
	[sflag:s0] =	ssyncset.done @!p0 $0x0  }
0x26c: {  	[sflag:s0] =	ssyncadd.s32 @!p0 s1  }
0x26d: {  	[bflag:$0x3] =	sbarrier.arrive $0xFFFF  }
0x26e: {  	_ =	shalt  }

</sc_bundles>
